<compile_context>
chip_gen: v7x
topology: tpu7x:2x2x1
jax: 0.10.2.dev20260603
libtpu: 0.0.44.dev20260713+nightly
codegen_flags: <defaults>
</compile_context>

<pallas_src>
import functools

import jax
import jax.numpy as jnp
from jax import lax
from jax.experimental import pallas as pl
from jax.experimental.pallas import tpu as pltpu
from jax.experimental.pallas import tpu_sc as plsc

N_P = 4096
NS = 8
M_BLK = 256
N_BLOCKS = N_P // M_BLK
M2_BLK = 1024
N_BLOCKS2 = N_P // M2_BLK
M3_BLK = 512
N_BLOCKS3 = N_P // M3_BLK
CHUNK = 128

B = 2
ROWS = B * N_P * NS
TD = 128
NW = 32
NC_SC = 2
R_PER_W = ROWS // NW
CH_SC = 256
NCH_SC = R_PER_W // CH_SC


def _select(sqrdist, width, need_fix):
    iota = jax.lax.broadcasted_iota(jnp.int32, (M_BLK, width), 1)
    vals = jnp.where(sqrdist <= 1.0, iota, N_P)
    idxs = []
    for _ in range(NS):
        j = jnp.min(vals, axis=1, keepdims=True)
        idxs.append(j)
        vals = jnp.where(iota == j, N_P, vals)
    if need_fix:
        first = idxs[0]
        idxs = [jnp.minimum(jnp.where(j == N_P, first, j), N_P - 1)
                for j in idxs]
    return jnp.concatenate(idxs, axis=1)


def _stage_a(coords_ref, xyz2_ref, idx_ref):
    coords = coords_ref[0]
    xyz2 = xyz2_ref[0]
    base = pl.program_id(0) * N_P

    sq_q = jnp.sum(coords * coords, axis=1, keepdims=True)
    xyz2c = xyz2[:CHUNK]
    sq_sc = jnp.sum(xyz2c * xyz2c, axis=1).reshape(1, CHUNK)
    crossc = jax.lax.dot_general(coords, xyz2c,
                                 (((1,), (1,)), ((), ())))
    sqrdc = sq_q + sq_sc - 2.0 * crossc
    cnt = jnp.sum((sqrdc <= 1.0).astype(jnp.int32), axis=1)
    all_found = jnp.min(cnt) >= NS

    @pl.when(all_found)
    def _fast():
        idx_ref[0] = _select(sqrdc, CHUNK, False) + base

    @pl.when(jnp.logical_not(all_found))
    def _full():
        sq_s = jnp.sum(xyz2 * xyz2, axis=1).reshape(1, N_P)
        cross = jax.lax.dot_general(coords, xyz2,
                                    (((1,), (1,)), ((), ())))
        sqrdist = sq_q + sq_s - 2.0 * cross
        idx_ref[0] = _select(sqrdist, N_P, True) + base


@functools.partial(
    pl.kernel,
    out_type=jax.ShapeDtypeStruct((ROWS, TD), jnp.float32),
    mesh=plsc.VectorSubcoreMesh(core_axis_name="c", subcore_axis_name="s"),
    scratch_types=[
        pltpu.VMEM((CH_SC,), jnp.int32),
        pltpu.VMEM((CH_SC,), jnp.int32),
        pltpu.VMEM((CH_SC, TD), jnp.float32),
        pltpu.VMEM((CH_SC, TD), jnp.float32),
        pltpu.SemaphoreType.DMA,
        pltpu.SemaphoreType.DMA,
    ],
)
def _sc_gather(table_hbm, idx_hbm, out_hbm, idx0, idx1, rows0, rows1,
               sem0, sem1):
    wid = lax.axis_index("s") * NC_SC + lax.axis_index("c")
    base = wid * R_PER_W
    idxs = [idx0, idx1]
    rows = [rows0, rows1]
    sems = [sem0, sem1]
    handles = [None, None]
    for k in range(min(2, NCH_SC)):
        pltpu.sync_copy(idx_hbm.at[pl.ds(base + k * CH_SC, CH_SC)], idxs[k])
        handles[k] = pltpu.async_copy(table_hbm.at[idxs[k]], rows[k], sems[k])
    for k in range(NCH_SC):
        s = k % 2
        handles[s].wait()
        pltpu.sync_copy(rows[s], out_hbm.at[pl.ds(base + k * CH_SC, CH_SC)])
        if k + 2 < NCH_SC:
            off = base + (k + 2) * CH_SC
            pltpu.sync_copy(idx_hbm.at[pl.ds(off, CH_SC)], idxs[s])
            handles[s] = pltpu.async_copy(table_hbm.at[idxs[s]], rows[s],
                                          sems[s])


def _stage_c(g_ref, f1t_ref, coords_ref, w1_ref, b1_ref, feat_ref, part_ref):
    g = g_ref[0]
    f1t = f1t_ref[0]
    coords = coords_ref[0]
    f1rep = jnp.broadcast_to(f1t[:, None, :],
                             (M3_BLK, NS, 64)).reshape(M3_BLK * NS, 64)
    corr = jnp.sum(g[:, :64] * f1rep, axis=1, keepdims=True) * 0.125
    crep = jnp.broadcast_to(coords[:, None, :],
                            (M3_BLK, NS, 3)).reshape(M3_BLK * NS, 3)
    dxyz = g[:, 64:67] - crep
    featr = jnp.concatenate([corr, dxyz], axis=1)
    feat_ref[0] = featr
    x = jax.lax.dot_general(featr, w1_ref[...],
                            (((1,), (1,)), ((), ()))) + b1_ref[...]
    part_ref[0, 0, 0] = jnp.sum(x, axis=0)
    part_ref[0, 0, 1] = jnp.sum(x * x, axis=0)


def _stage_b(feat_ref, part_ref, w1_ref, b1_ref, gamma_ref, beta_ref,
             a_ref, w2_ref, b2_ref, out_ref):
    sum_x = jnp.sum(part_ref[0, :, 0, :], axis=0, keepdims=True)
    sum_x2 = jnp.sum(part_ref[0, :, 1, :], axis=0, keepdims=True)
    gi = jax.lax.broadcasted_iota(jnp.int32, (64, 64), 0) // 8
    gj = jax.lax.broadcasted_iota(jnp.int32, (64, 64), 1) // 8
    gmat = (gi == gj).astype(jnp.float32)
    n_tot = float(N_P * NS * 8)
    mean_c = jnp.dot(sum_x, gmat) / n_tot
    ex2_c = jnp.dot(sum_x2, gmat) / n_tot
    var_c = ex2_c - mean_c * mean_c
    inv_c = jax.lax.rsqrt(var_c + 1e-5)
    scale = gamma_ref[...] * inv_c
    shift = beta_ref[...] - mean_c * scale

    xt = jax.lax.dot_general(feat_ref[0], w1_ref[...],
                             (((1,), (1,)), ((), ())))
    xt = xt + b1_ref[...]
    xt = xt * scale + shift
    a = a_ref[0, 0]
    xt = jnp.where(xt >= 0.0, xt, a * xt)
    mx = jnp.max(xt.reshape(M2_BLK, NS, 64), axis=1)
    out = jax.lax.dot_general(w2_ref[...], mx,
                              (((1,), (1,)), ((), ())))
    out_ref[0] = out + b2_ref[...]


@jax.jit
def kernel(coords, xyz2, fmap1, fmap2, W1, b1, gamma, beta, prelu_a, W2, b2):
    b = coords.shape[0]
    f2t = jnp.transpose(fmap2, (0, 2, 1))
    f1t = jnp.transpose(fmap1, (0, 2, 1))
    table = jnp.concatenate(
        [f2t, xyz2, jnp.zeros((b, N_P, TD - 67), jnp.float32)],
        axis=2).reshape(b * N_P, TD)
    b1r = b1.reshape(1, 64)
    gammar = gamma.reshape(1, 64)
    betar = beta.reshape(1, 64)
    b2c = b2.reshape(64, 1)
    ar = prelu_a.reshape(1, 1)

    gidx = pl.pallas_call(
        _stage_a,
        grid=(b, N_BLOCKS),
        in_specs=[
            pl.BlockSpec((1, M_BLK, 3), lambda bi, mi: (bi, mi, 0)),
            pl.BlockSpec((1, N_P, 3), lambda bi, mi: (bi, 0, 0)),
        ],
        out_specs=pl.BlockSpec((1, M_BLK, NS), lambda bi, mi: (bi, mi, 0)),
        out_shape=jax.ShapeDtypeStruct((b, N_P, NS), jnp.int32),
        compiler_params=pltpu.CompilerParams(
            dimension_semantics=("parallel", "parallel")),
    )(coords, xyz2)

    gathered = _sc_gather(table, gidx.reshape(ROWS))
    g3 = gathered.reshape(b, N_P * NS, TD)

    featr, part = pl.pallas_call(
        _stage_c,
        grid=(b, N_BLOCKS3),
        in_specs=[
            pl.BlockSpec((1, M3_BLK * NS, TD), lambda bi, mi: (bi, mi, 0)),
            pl.BlockSpec((1, M3_BLK, 64), lambda bi, mi: (bi, mi, 0)),
            pl.BlockSpec((1, M3_BLK, 3), lambda bi, mi: (bi, mi, 0)),
            pl.BlockSpec((64, 4), lambda bi, mi: (0, 0)),
            pl.BlockSpec((1, 64), lambda bi, mi: (0, 0)),
        ],
        out_specs=[
            pl.BlockSpec((1, M3_BLK * NS, 4), lambda bi, mi: (bi, mi, 0)),
            pl.BlockSpec((1, 1, 2, 64), lambda bi, mi: (bi, mi, 0, 0)),
        ],
        out_shape=[
            jax.ShapeDtypeStruct((b, N_P * NS, 4), jnp.float32),
            jax.ShapeDtypeStruct((b, N_BLOCKS3, 2, 64), jnp.float32),
        ],
        compiler_params=pltpu.CompilerParams(
            dimension_semantics=("parallel", "parallel")),
    )(g3, f1t, coords, W1, b1r)

    out = pl.pallas_call(
        _stage_b,
        grid=(b, N_BLOCKS2),
        in_specs=[
            pl.BlockSpec((1, NS * M2_BLK, 4), lambda bi, mi: (bi, mi, 0)),
            pl.BlockSpec((1, N_BLOCKS3, 2, 64), lambda bi, mi: (bi, 0, 0, 0)),
            pl.BlockSpec((64, 4), lambda bi, mi: (0, 0)),
            pl.BlockSpec((1, 64), lambda bi, mi: (0, 0)),
            pl.BlockSpec((1, 64), lambda bi, mi: (0, 0)),
            pl.BlockSpec((1, 64), lambda bi, mi: (0, 0)),
            pl.BlockSpec((1, 1), lambda bi, mi: (0, 0)),
            pl.BlockSpec((64, 64), lambda bi, mi: (0, 0)),
            pl.BlockSpec((64, 1), lambda bi, mi: (0, 0)),
        ],
        out_specs=pl.BlockSpec((1, 64, M2_BLK), lambda bi, mi: (bi, 0, mi)),
        out_shape=jax.ShapeDtypeStruct((b, 64, N_P), jnp.float32),
        compiler_params=pltpu.CompilerParams(
            dimension_semantics=("parallel", "parallel")),
    )(featr, part, W1, b1r, gammar, betar, ar, W2, b2c)
    return out

# --- scband reference (transcript-rebuilt; emitter-appended) ---
"""Pipeline reference for scband-bq-corr-block-67327907332136 (READ-ONLY COPY).

The authoritative reference and input builder live on the scoring server;
editing this copy changes nothing except your own understanding.
"""

import jax, jax.numpy as jnp
import numpy as np

RADIUS = 1.0
NSAMPLE = 8


def setup_inputs(seed: int = 0) -> dict:
    key = jax.random.key(seed)
    ks = jax.random.split(key, 12)
    b, n_p, dim = 2, 4096, 64
    coords = jax.random.uniform(ks[0], (b, n_p, 3), dtype=jnp.float32)
    xyz2 = jax.random.uniform(ks[1], (b, n_p, 3), dtype=jnp.float32)
    fmap1 = jax.random.normal(ks[2], (b, dim, n_p), dtype=jnp.float32)
    fmap2 = jax.random.normal(ks[3], (b, dim, n_p), dtype=jnp.float32)
    # conv: Conv2d(4, 64, 1) + GroupNorm(8, 64) + PReLU
    W1 = jax.random.normal(ks[4], (64, 4), dtype=jnp.float32) * (1.0 / np.sqrt(4.0))
    b1 = jnp.zeros((64,), dtype=jnp.float32)
    gamma = jnp.ones((64,), dtype=jnp.float32)
    beta = jnp.zeros((64,), dtype=jnp.float32)
    prelu_a = jnp.asarray(0.25, dtype=jnp.float32)
    # out: Conv1d(64, 64, 1)
    W2 = jax.random.normal(ks[5], (64, 64), dtype=jnp.float32) * (1.0 / np.sqrt(64.0))
    b2 = jnp.zeros((64,), dtype=jnp.float32)
    return {"coords": coords, "xyz2": xyz2, "fmap1": fmap1, "fmap2": fmap2,
            "W1": W1, "b1": b1, "gamma": gamma, "beta": beta,
            "prelu_a": prelu_a, "W2": W2, "b2": b2}


def _ball_query(radius, nsample, xyz, new_xyz):
    # xyz: [b, n, 3] support points; new_xyz: [b, m, 3] query points
    b, n, _ = xyz.shape
    m = new_xyz.shape[1]
    sq_q = jnp.sum(new_xyz * new_xyz, axis=-1)[:, :, None]
    sq_s = jnp.sum(xyz * xyz, axis=-1)[:, None, :]
    sqrdist = sq_q + sq_s - 2.0 * jnp.einsum('bmc,bnc->bmn', new_xyz, xyz)
    mask = sqrdist <= radius * radius
    group_idx = jnp.where(mask, jnp.arange(n, dtype=jnp.int32)[None, None, :], n)
    group_idx = jnp.sort(group_idx, axis=-1)[:, :, :nsample]
    first = group_idx[:, :, 0:1]
    group_idx = jnp.where(group_idx == n, jnp.broadcast_to(first, group_idx.shape), group_idx)
    group_idx = jnp.minimum(group_idx, n - 1)
    return jax.lax.stop_gradient(group_idx)


def reference(coords, xyz2, fmap1, fmap2, W1, b1, gamma, beta, prelu_a, W2, b2):
    b, n_p, _ = coords.shape
    dim = fmap1.shape[1]
    # calculate_corr
    corr = jnp.einsum('bdn,bdm->bnm', fmap1, fmap2) / jnp.sqrt(jnp.asarray(dim, jnp.float32))
    # ball query and group (radius=1, nsample=8)
    idx = _ball_query(RADIUS, NSAMPLE, xyz2, coords)  # [b, n_p, nsample]
    gathered = jax.vmap(lambda pts, ii: pts[ii])(xyz2, idx)  # [b, n_p, ns, 3]
    grouped_xyz = gathered - coords[:, :, None, :]
    grouped_xyz = jnp.transpose(grouped_xyz, (0, 3, 1, 2))  # [b, 3, n_p, ns]
    # gather correlation values
    cur_corr = jnp.take_along_axis(corr, idx, axis=2)[:, None, :, :]  # [b, 1, n_p, ns]
    feat = jnp.concatenate([cur_corr, grouped_xyz], axis=1)  # [b, 4, n_p, ns]
    # Conv2d(4, 64, 1)
    x = jnp.einsum('oc,bcms->boms', W1, feat) + b1[None, :, None, None]
    # GroupNorm(8, 64)
    g = 8
    C = x.shape[1]
    xr = x.reshape(b, g, C // g, n_p, NSAMPLE)
    mean = jnp.mean(xr, axis=(2, 3, 4), keepdims=True)
    var = jnp.var(xr, axis=(2, 3, 4), keepdims=True)
    xr = (xr - mean) / jnp.sqrt(var + 1e-5)
    x = xr.reshape(b, C, n_p, NSAMPLE) * gamma[None, :, None, None] + beta[None, :, None, None]
    # PReLU (single parameter)
    x = jnp.where(x >= 0, x, prelu_a * x)
    # max over neighbor dim
    x = jnp.max(x, axis=3)  # [b, 64, n_p]
    # Conv1d(64, 64, 1)
    out = jnp.einsum('oc,bcm->bom', W2, x) + b2[None, :, None]
    return out

if __name__ == "__main__":
    import jax
    _d = setup_inputs()
    print(jax.jit(kernel)(*tuple(_d.values())))

</pallas_src>

<mosaic_0001>
#map = affine_map<(d0, d1) -> (0, 0)>
#map1 = affine_map<(d0, d1) -> (0)>
module attributes {stable_mosaic.version = 14 : i64} {
  func.func @_sc_gather(%arg0: i32, %arg1: i32, %arg2: memref<8192x128xf32, #tpu.memory_space<hbm>>, %arg3: memref<65536xi32, #tpu.memory_space<hbm>>, %arg4: memref<65536x128xf32, #tpu.memory_space<hbm>>, %arg5: memref<256xi32, #tpu.memory_space<vmem>>, %arg6: memref<256xi32, #tpu.memory_space<vmem>>, %arg7: memref<256x128xf32, #tpu.memory_space<vmem>>, %arg8: memref<256x128xf32, #tpu.memory_space<vmem>>, %arg9: memref<!tpu.dma_semaphore, #tpu.memory_space<semaphore_mem>>, %arg10: memref<!tpu.dma_semaphore, #tpu.memory_space<semaphore_mem>>) attributes {dimension_semantics = [#tpu.dimension_semantics<core_parallel>, #tpu.dimension_semantics<subcore_parallel>], iteration_bounds = array<i64: 2, 16>, scalar_prefetch = 0 : i64, scratch_operands = 6 : i64, tpu.core_type = #tpu.core_type<sc_vector_subcore>, window_params = [{transform_indices = #map}, {transform_indices = #map1}, {transform_indices = #map}]} {
    %mul3A = arith.constant 2 : i32
    %mul3A_0 = arith.muli %arg1, %mul3A : i32
    %add3A = arith.addi %mul3A_0, %arg0 : i32
    %mul3A_1 = arith.constant 2048 : i32
    %mul3A_2 = arith.muli %add3A, %mul3A_1 : i32
    %add3A_3 = arith.constant 0 : i32
    %add3A_4 = arith.addi %mul3A_2, %add3A_3 : i32
    "tpu.region"() ({
      %run_scoped3A = tpu.sem_alloc : memref<!tpu.dma_semaphore, #tpu.memory_space<semaphore_mem>>
      %dma_start3A_81 = tpu.memref_slice %arg3[%add3A_4] : memref<65536xi32, #tpu.memory_space<hbm>> -> memref<256xi32, #tpu.memory_space<hbm>>
      %dma_start3A_82 = tpu.memref_slice %arg3[%add3A_4] : memref<65536xi32, #tpu.memory_space<hbm>> -> memref<256xi32, #tpu.memory_space<hbm>>
      tpu.enqueue_dma source(%dma_start3A_82 : memref<256xi32, #tpu.memory_space<hbm>>) target(%arg5 : memref<256xi32, #tpu.memory_space<vmem>>) target_semaphore(%run_scoped3A : memref<!tpu.dma_semaphore, #tpu.memory_space<semaphore_mem>>)
      %dma_wait3A_83 = tpu.memref_slice %arg3[%add3A_4] : memref<65536xi32, #tpu.memory_space<hbm>> -> memref<256xi32, #tpu.memory_space<hbm>>
      %dma_wait3A_84 = tpu.memref_slice %arg3[%add3A_4] : memref<65536xi32, #tpu.memory_space<hbm>> -> memref<256xi32, #tpu.memory_space<hbm>>
      tpu.wait_dma2 semaphore(%run_scoped3A : memref<!tpu.dma_semaphore, #tpu.memory_space<semaphore_mem>>) src(%dma_wait3A_84 : memref<256xi32, #tpu.memory_space<hbm>>) dst(%arg5 : memref<256xi32, #tpu.memory_space<vmem>>)
      tpu.yield
    }) : () -> ()
    %dma_start3A = arith.constant 0 : i32
    %dma_start3A_5 = arith.constant 0 : i32
    %dma_start3A_6 = tpu.memref_slice %arg2[%dma_start3A, %dma_start3A_5] : memref<8192x128xf32, #tpu.memory_space<hbm>> -> memref<8192x128xf32, #tpu.memory_space<hbm>>
    tpu.enqueue_indirect_dma source(%dma_start3A_6 : memref<8192x128xf32, #tpu.memory_space<hbm>>) target(%arg7 : memref<256x128xf32, #tpu.memory_space<vmem>>) offsets(%arg5 : memref<256xi32, #tpu.memory_space<vmem>>) semaphore(%arg9 : memref<!tpu.dma_semaphore, #tpu.memory_space<semaphore_mem>>)
    %add3A_7 = arith.constant 256 : i32
    %add3A_8 = arith.addi %mul3A_2, %add3A_7 : i32
    "tpu.region"() ({
      %run_scoped3A = tpu.sem_alloc : memref<!tpu.dma_semaphore, #tpu.memory_space<semaphore_mem>>
      %dma_start3A_81 = tpu.memref_slice %arg3[%add3A_8] : memref<65536xi32, #tpu.memory_space<hbm>> -> memref<256xi32, #tpu.memory_space<hbm>>
      %dma_start3A_82 = tpu.memref_slice %arg3[%add3A_8] : memref<65536xi32, #tpu.memory_space<hbm>> -> memref<256xi32, #tpu.memory_space<hbm>>
      tpu.enqueue_dma source(%dma_start3A_82 : memref<256xi32, #tpu.memory_space<hbm>>) target(%arg6 : memref<256xi32, #tpu.memory_space<vmem>>) target_semaphore(%run_scoped3A : memref<!tpu.dma_semaphore, #tpu.memory_space<semaphore_mem>>)
      %dma_wait3A_83 = tpu.memref_slice %arg3[%add3A_8] : memref<65536xi32, #tpu.memory_space<hbm>> -> memref<256xi32, #tpu.memory_space<hbm>>
      %dma_wait3A_84 = tpu.memref_slice %arg3[%add3A_8] : memref<65536xi32, #tpu.memory_space<hbm>> -> memref<256xi32, #tpu.memory_space<hbm>>
      tpu.wait_dma2 semaphore(%run_scoped3A : memref<!tpu.dma_semaphore, #tpu.memory_space<semaphore_mem>>) src(%dma_wait3A_84 : memref<256xi32, #tpu.memory_space<hbm>>) dst(%arg6 : memref<256xi32, #tpu.memory_space<vmem>>)
      tpu.yield
    }) : () -> ()
    %dma_start3A_9 = arith.constant 0 : i32
    %dma_start3A_10 = arith.constant 0 : i32
    %dma_start3A_11 = tpu.memref_slice %arg2[%dma_start3A_9, %dma_start3A_10] : memref<8192x128xf32, #tpu.memory_space<hbm>> -> memref<8192x128xf32, #tpu.memory_space<hbm>>
    tpu.enqueue_indirect_dma source(%dma_start3A_11 : memref<8192x128xf32, #tpu.memory_space<hbm>>) target(%arg8 : memref<256x128xf32, #tpu.memory_space<vmem>>) offsets(%arg6 : memref<256xi32, #tpu.memory_space<vmem>>) semaphore(%arg10 : memref<!tpu.dma_semaphore, #tpu.memory_space<semaphore_mem>>)
    %dma_wait3A = arith.constant 0 : i32
    %dma_wait3A_12 = arith.constant 0 : i32
    %dma_wait3A_13 = tpu.memref_slice %arg2[%dma_wait3A, %dma_wait3A_12] : memref<8192x128xf32, #tpu.memory_space<hbm>> -> memref<8192x128xf32, #tpu.memory_space<hbm>>
    tpu.wait_indirect_dma semaphore(%arg9 : memref<!tpu.dma_semaphore, #tpu.memory_space<semaphore_mem>>) src(%dma_wait3A_13 : memref<8192x128xf32, #tpu.memory_space<hbm>>) dst(%arg7 : memref<256x128xf32, #tpu.memory_space<vmem>>)
    %add3A_14 = arith.constant 0 : i32
    %add3A_15 = arith.addi %mul3A_2, %add3A_14 : i32
    "tpu.region"() ({
      %run_scoped3A = tpu.sem_alloc : memref<!tpu.dma_semaphore, #tpu.memory_space<semaphore_mem>>
      %dma_start3A_81 = arith.constant 0 : i32
      %dma_start3A_82 = tpu.memref_slice %arg4[%add3A_15, %dma_start3A_81] : memref<65536x128xf32, #tpu.memory_space<hbm>> -> memref<256x128xf32, #tpu.memory_space<hbm>>
      %dma_start3A_83 = arith.constant 0 : i32
      %dma_start3A_84 = tpu.memref_slice %arg4[%add3A_15, %dma_start3A_83] : memref<65536x128xf32, #tpu.memory_space<hbm>> -> memref<256x128xf32, #tpu.memory_space<hbm>>
      tpu.enqueue_dma source(%arg7 : memref<256x128xf32, #tpu.memory_space<vmem>>) target(%dma_start3A_84 : memref<256x128xf32, #tpu.memory_space<hbm>>) target_semaphore(%run_scoped3A : memref<!tpu.dma_semaphore, #tpu.memory_space<semaphore_mem>>)
      %dma_wait3A_85 = arith.constant 0 : i32
      %dma_wait3A_86 = tpu.memref_slice %arg4[%add3A_15, %dma_wait3A_85] : memref<65536x128xf32, #tpu.memory_space<hbm>> -> memref<256x128xf32, #tpu.memory_space<hbm>>
      %dma_wait3A_87 = arith.constant 0 : i32
      %dma_wait3A_88 = tpu.memref_slice %arg4[%add3A_15, %dma_wait3A_87] : memref<65536x128xf32, #tpu.memory_space<hbm>> -> memref<256x128xf32, #tpu.memory_space<hbm>>
      tpu.wait_dma2 semaphore(%run_scoped3A : memref<!tpu.dma_semaphore, #tpu.memory_space<semaphore_mem>>) src(%arg7 : memref<256x128xf32, #tpu.memory_space<vmem>>) dst(%dma_wait3A_88 : memref<256x128xf32, #tpu.memory_space<hbm>>)
      tpu.yield
    }) : () -> ()
    %add3A_16 = arith.constant 512 : i32
    %add3A_17 = arith.addi %mul3A_2, %add3A_16 : i32
    "tpu.region"() ({
      %run_scoped3A = tpu.sem_alloc : memref<!tpu.dma_semaphore, #tpu.memory_space<semaphore_mem>>
      %dma_start3A_81 = tpu.memref_slice %arg3[%add3A_17] : memref<65536xi32, #tpu.memory_space<hbm>> -> memref<256xi32, #tpu.memory_space<hbm>>
      %dma_start3A_82 = tpu.memref_slice %arg3[%add3A_17] : memref<65536xi32, #tpu.memory_space<hbm>> -> memref<256xi32, #tpu.memory_space<hbm>>
      tpu.enqueue_dma source(%dma_start3A_82 : memref<256xi32, #tpu.memory_space<hbm>>) target(%arg5 : memref<256xi32, #tpu.memory_space<vmem>>) target_semaphore(%run_scoped3A : memref<!tpu.dma_semaphore, #tpu.memory_space<semaphore_mem>>)
      %dma_wait3A_83 = tpu.memref_slice %arg3[%add3A_17] : memref<65536xi32, #tpu.memory_space<hbm>> -> memref<256xi32, #tpu.memory_space<hbm>>
      %dma_wait3A_84 = tpu.memref_slice %arg3[%add3A_17] : memref<65536xi32, #tpu.memory_space<hbm>> -> memref<256xi32, #tpu.memory_space<hbm>>
      tpu.wait_dma2 semaphore(%run_scoped3A : memref<!tpu.dma_semaphore, #tpu.memory_space<semaphore_mem>>) src(%dma_wait3A_84 : memref<256xi32, #tpu.memory_space<hbm>>) dst(%arg5 : memref<256xi32, #tpu.memory_space<vmem>>)
      tpu.yield
    }) : () -> ()
    %dma_start3A_18 = arith.constant 0 : i32
    %dma_start3A_19 = arith.constant 0 : i32
    %dma_start3A_20 = tpu.memref_slice %arg2[%dma_start3A_18, %dma_start3A_19] : memref<8192x128xf32, #tpu.memory_space<hbm>> -> memref<8192x128xf32, #tpu.memory_space<hbm>>
    tpu.enqueue_indirect_dma source(%dma_start3A_20 : memref<8192x128xf32, #tpu.memory_space<hbm>>) target(%arg7 : memref<256x128xf32, #tpu.memory_space<vmem>>) offsets(%arg5 : memref<256xi32, #tpu.memory_space<vmem>>) semaphore(%arg9 : memref<!tpu.dma_semaphore, #tpu.memory_space<semaphore_mem>>)
    %dma_wait3A_21 = arith.constant 0 : i32
    %dma_wait3A_22 = arith.constant 0 : i32
    %dma_wait3A_23 = tpu.memref_slice %arg2[%dma_wait3A_21, %dma_wait3A_22] : memref<8192x128xf32, #tpu.memory_space<hbm>> -> memref<8192x128xf32, #tpu.memory_space<hbm>>
    tpu.wait_indirect_dma semaphore(%arg10 : memref<!tpu.dma_semaphore, #tpu.memory_space<semaphore_mem>>) src(%dma_wait3A_23 : memref<8192x128xf32, #tpu.memory_space<hbm>>) dst(%arg8 : memref<256x128xf32, #tpu.memory_space<vmem>>)
    %add3A_24 = arith.constant 256 : i32
    %add3A_25 = arith.addi %mul3A_2, %add3A_24 : i32
    "tpu.region"() ({
      %run_scoped3A = tpu.sem_alloc : memref<!tpu.dma_semaphore, #tpu.memory_space<semaphore_mem>>
      %dma_start3A_81 = arith.constant 0 : i32
      %dma_start3A_82 = tpu.memref_slice %arg4[%add3A_25, %dma_start3A_81] : memref<65536x128xf32, #tpu.memory_space<hbm>> -> memref<256x128xf32, #tpu.memory_space<hbm>>
      %dma_start3A_83 = arith.constant 0 : i32
      %dma_start3A_84 = tpu.memref_slice %arg4[%add3A_25, %dma_start3A_83] : memref<65536x128xf32, #tpu.memory_space<hbm>> -> memref<256x128xf32, #tpu.memory_space<hbm>>
      tpu.enqueue_dma source(%arg8 : memref<256x128xf32, #tpu.memory_space<vmem>>) target(%dma_start3A_84 : memref<256x128xf32, #tpu.memory_space<hbm>>) target_semaphore(%run_scoped3A : memref<!tpu.dma_semaphore, #tpu.memory_space<semaphore_mem>>)
      %dma_wait3A_85 = arith.constant 0 : i32
      %dma_wait3A_86 = tpu.memref_slice %arg4[%add3A_25, %dma_wait3A_85] : memref<65536x128xf32, #tpu.memory_space<hbm>> -> memref<256x128xf32, #tpu.memory_space<hbm>>
      %dma_wait3A_87 = arith.constant 0 : i32
      %dma_wait3A_88 = tpu.memref_slice %arg4[%add3A_25, %dma_wait3A_87] : memref<65536x128xf32, #tpu.memory_space<hbm>> -> memref<256x128xf32, #tpu.memory_space<hbm>>
      tpu.wait_dma2 semaphore(%run_scoped3A : memref<!tpu.dma_semaphore, #tpu.memory_space<semaphore_mem>>) src(%arg8 : memref<256x128xf32, #tpu.memory_space<vmem>>) dst(%dma_wait3A_88 : memref<256x128xf32, #tpu.memory_space<hbm>>)
      tpu.yield
    }) : () -> ()
    %add3A_26 = arith.constant 768 : i32
    %add3A_27 = arith.addi %mul3A_2, %add3A_26 : i32
    "tpu.region"() ({
      %run_scoped3A = tpu.sem_alloc : memref<!tpu.dma_semaphore, #tpu.memory_space<semaphore_mem>>
      %dma_start3A_81 = tpu.memref_slice %arg3[%add3A_27] : memref<65536xi32, #tpu.memory_space<hbm>> -> memref<256xi32, #tpu.memory_space<hbm>>
      %dma_start3A_82 = tpu.memref_slice %arg3[%add3A_27] : memref<65536xi32, #tpu.memory_space<hbm>> -> memref<256xi32, #tpu.memory_space<hbm>>
      tpu.enqueue_dma source(%dma_start3A_82 : memref<256xi32, #tpu.memory_space<hbm>>) target(%arg6 : memref<256xi32, #tpu.memory_space<vmem>>) target_semaphore(%run_scoped3A : memref<!tpu.dma_semaphore, #tpu.memory_space<semaphore_mem>>)
      %dma_wait3A_83 = tpu.memref_slice %arg3[%add3A_27] : memref<65536xi32, #tpu.memory_space<hbm>> -> memref<256xi32, #tpu.memory_space<hbm>>
      %dma_wait3A_84 = tpu.memref_slice %arg3[%add3A_27] : memref<65536xi32, #tpu.memory_space<hbm>> -> memref<256xi32, #tpu.memory_space<hbm>>
      tpu.wait_dma2 semaphore(%run_scoped3A : memref<!tpu.dma_semaphore, #tpu.memory_space<semaphore_mem>>) src(%dma_wait3A_84 : memref<256xi32, #tpu.memory_space<hbm>>) dst(%arg6 : memref<256xi32, #tpu.memory_space<vmem>>)
      tpu.yield
    }) : () -> ()
    %dma_start3A_28 = arith.constant 0 : i32
    %dma_start3A_29 = arith.constant 0 : i32
    %dma_start3A_30 = tpu.memref_slice %arg2[%dma_start3A_28, %dma_start3A_29] : memref<8192x128xf32, #tpu.memory_space<hbm>> -> memref<8192x128xf32, #tpu.memory_space<hbm>>
    tpu.enqueue_indirect_dma source(%dma_start3A_30 : memref<8192x128xf32, #tpu.memory_space<hbm>>) target(%arg8 : memref<256x128xf32, #tpu.memory_space<vmem>>) offsets(%arg6 : memref<256xi32, #tpu.memory_space<vmem>>) semaphore(%arg10 : memref<!tpu.dma_semaphore, #tpu.memory_space<semaphore_mem>>)
    %dma_wait3A_31 = arith.constant 0 : i32
    %dma_wait3A_32 = arith.constant 0 : i32
    %dma_wait3A_33 = tpu.memref_slice %arg2[%dma_wait3A_31, %dma_wait3A_32] : memref<8192x128xf32, #tpu.memory_space<hbm>> -> memref<8192x128xf32, #tpu.memory_space<hbm>>
    tpu.wait_indirect_dma semaphore(%arg9 : memref<!tpu.dma_semaphore, #tpu.memory_space<semaphore_mem>>) src(%dma_wait3A_33 : memref<8192x128xf32, #tpu.memory_space<hbm>>) dst(%arg7 : memref<256x128xf32, #tpu.memory_space<vmem>>)
    %add3A_34 = arith.constant 512 : i32
    %add3A_35 = arith.addi %mul3A_2, %add3A_34 : i32
    "tpu.region"() ({
      %run_scoped3A = tpu.sem_alloc : memref<!tpu.dma_semaphore, #tpu.memory_space<semaphore_mem>>
      %dma_start3A_81 = arith.constant 0 : i32
      %dma_start3A_82 = tpu.memref_slice %arg4[%add3A_35, %dma_start3A_81] : memref<65536x128xf32, #tpu.memory_space<hbm>> -> memref<256x128xf32, #tpu.memory_space<hbm>>
      %dma_start3A_83 = arith.constant 0 : i32
      %dma_start3A_84 = tpu.memref_slice %arg4[%add3A_35, %dma_start3A_83] : memref<65536x128xf32, #tpu.memory_space<hbm>> -> memref<256x128xf32, #tpu.memory_space<hbm>>
      tpu.enqueue_dma source(%arg7 : memref<256x128xf32, #tpu.memory_space<vmem>>) target(%dma_start3A_84 : memref<256x128xf32, #tpu.memory_space<hbm>>) target_semaphore(%run_scoped3A : memref<!tpu.dma_semaphore, #tpu.memory_space<semaphore_mem>>)
      %dma_wait3A_85 = arith.constant 0 : i32
      %dma_wait3A_86 = tpu.memref_slice %arg4[%add3A_35, %dma_wait3A_85] : memref<65536x128xf32, #tpu.memory_space<hbm>> -> memref<256x128xf32, #tpu.memory_space<hbm>>
      %dma_wait3A_87 = arith.constant 0 : i32
      %dma_wait3A_88 = tpu.memref_slice %arg4[%add3A_35, %dma_wait3A_87] : memref<65536x128xf32, #tpu.memory_space<hbm>> -> memref<256x128xf32, #tpu.memory_space<hbm>>
      tpu.wait_dma2 semaphore(%run_scoped3A : memref<!tpu.dma_semaphore, #tpu.memory_space<semaphore_mem>>) src(%arg7 : memref<256x128xf32, #tpu.memory_space<vmem>>) dst(%dma_wait3A_88 : memref<256x128xf32, #tpu.memory_space<hbm>>)
      tpu.yield
    }) : () -> ()
    %add3A_36 = arith.constant 1024 : i32
    %add3A_37 = arith.addi %mul3A_2, %add3A_36 : i32
    "tpu.region"() ({
      %run_scoped3A = tpu.sem_alloc : memref<!tpu.dma_semaphore, #tpu.memory_space<semaphore_mem>>
      %dma_start3A_81 = tpu.memref_slice %arg3[%add3A_37] : memref<65536xi32, #tpu.memory_space<hbm>> -> memref<256xi32, #tpu.memory_space<hbm>>
      %dma_start3A_82 = tpu.memref_slice %arg3[%add3A_37] : memref<65536xi32, #tpu.memory_space<hbm>> -> memref<256xi32, #tpu.memory_space<hbm>>
      tpu.enqueue_dma source(%dma_start3A_82 : memref<256xi32, #tpu.memory_space<hbm>>) target(%arg5 : memref<256xi32, #tpu.memory_space<vmem>>) target_semaphore(%run_scoped3A : memref<!tpu.dma_semaphore, #tpu.memory_space<semaphore_mem>>)
      %dma_wait3A_83 = tpu.memref_slice %arg3[%add3A_37] : memref<65536xi32, #tpu.memory_space<hbm>> -> memref<256xi32, #tpu.memory_space<hbm>>
      %dma_wait3A_84 = tpu.memref_slice %arg3[%add3A_37] : memref<65536xi32, #tpu.memory_space<hbm>> -> memref<256xi32, #tpu.memory_space<hbm>>
      tpu.wait_dma2 semaphore(%run_scoped3A : memref<!tpu.dma_semaphore, #tpu.memory_space<semaphore_mem>>) src(%dma_wait3A_84 : memref<256xi32, #tpu.memory_space<hbm>>) dst(%arg5 : memref<256xi32, #tpu.memory_space<vmem>>)
      tpu.yield
    }) : () -> ()
    %dma_start3A_38 = arith.constant 0 : i32
    %dma_start3A_39 = arith.constant 0 : i32
    %dma_start3A_40 = tpu.memref_slice %arg2[%dma_start3A_38, %dma_start3A_39] : memref<8192x128xf32, #tpu.memory_space<hbm>> -> memref<8192x128xf32, #tpu.memory_space<hbm>>
    tpu.enqueue_indirect_dma source(%dma_start3A_40 : memref<8192x128xf32, #tpu.memory_space<hbm>>) target(%arg7 : memref<256x128xf32, #tpu.memory_space<vmem>>) offsets(%arg5 : memref<256xi32, #tpu.memory_space<vmem>>) semaphore(%arg9 : memref<!tpu.dma_semaphore, #tpu.memory_space<semaphore_mem>>)
    %dma_wait3A_41 = arith.constant 0 : i32
    %dma_wait3A_42 = arith.constant 0 : i32
    %dma_wait3A_43 = tpu.memref_slice %arg2[%dma_wait3A_41, %dma_wait3A_42] : memref<8192x128xf32, #tpu.memory_space<hbm>> -> memref<8192x128xf32, #tpu.memory_space<hbm>>
    tpu.wait_indirect_dma semaphore(%arg10 : memref<!tpu.dma_semaphore, #tpu.memory_space<semaphore_mem>>) src(%dma_wait3A_43 : memref<8192x128xf32, #tpu.memory_space<hbm>>) dst(%arg8 : memref<256x128xf32, #tpu.memory_space<vmem>>)
    %add3A_44 = arith.constant 768 : i32
    %add3A_45 = arith.addi %mul3A_2, %add3A_44 : i32
    "tpu.region"() ({
      %run_scoped3A = tpu.sem_alloc : memref<!tpu.dma_semaphore, #tpu.memory_space<semaphore_mem>>
      %dma_start3A_81 = arith.constant 0 : i32
      %dma_start3A_82 = tpu.memref_slice %arg4[%add3A_45, %dma_start3A_81] : memref<65536x128xf32, #tpu.memory_space<hbm>> -> memref<256x128xf32, #tpu.memory_space<hbm>>
      %dma_start3A_83 = arith.constant 0 : i32
      %dma_start3A_84 = tpu.memref_slice %arg4[%add3A_45, %dma_start3A_83] : memref<65536x128xf32, #tpu.memory_space<hbm>> -> memref<256x128xf32, #tpu.memory_space<hbm>>
      tpu.enqueue_dma source(%arg8 : memref<256x128xf32, #tpu.memory_space<vmem>>) target(%dma_start3A_84 : memref<256x128xf32, #tpu.memory_space<hbm>>) target_semaphore(%run_scoped3A : memref<!tpu.dma_semaphore, #tpu.memory_space<semaphore_mem>>)
      %dma_wait3A_85 = arith.constant 0 : i32
      %dma_wait3A_86 = tpu.memref_slice %arg4[%add3A_45, %dma_wait3A_85] : memref<65536x128xf32, #tpu.memory_space<hbm>> -> memref<256x128xf32, #tpu.memory_space<hbm>>
      %dma_wait3A_87 = arith.constant 0 : i32
      %dma_wait3A_88 = tpu.memref_slice %arg4[%add3A_45, %dma_wait3A_87] : memref<65536x128xf32, #tpu.memory_space<hbm>> -> memref<256x128xf32, #tpu.memory_space<hbm>>
      tpu.wait_dma2 semaphore(%run_scoped3A : memref<!tpu.dma_semaphore, #tpu.memory_space<semaphore_mem>>) src(%arg8 : memref<256x128xf32, #tpu.memory_space<vmem>>) dst(%dma_wait3A_88 : memref<256x128xf32, #tpu.memory_space<hbm>>)
      tpu.yield
    }) : () -> ()
    %add3A_46 = arith.constant 1280 : i32
    %add3A_47 = arith.addi %mul3A_2, %add3A_46 : i32
    "tpu.region"() ({
      %run_scoped3A = tpu.sem_alloc : memref<!tpu.dma_semaphore, #tpu.memory_space<semaphore_mem>>
      %dma_start3A_81 = tpu.memref_slice %arg3[%add3A_47] : memref<65536xi32, #tpu.memory_space<hbm>> -> memref<256xi32, #tpu.memory_space<hbm>>
      %dma_start3A_82 = tpu.memref_slice %arg3[%add3A_47] : memref<65536xi32, #tpu.memory_space<hbm>> -> memref<256xi32, #tpu.memory_space<hbm>>
      tpu.enqueue_dma source(%dma_start3A_82 : memref<256xi32, #tpu.memory_space<hbm>>) target(%arg6 : memref<256xi32, #tpu.memory_space<vmem>>) target_semaphore(%run_scoped3A : memref<!tpu.dma_semaphore, #tpu.memory_space<semaphore_mem>>)
      %dma_wait3A_83 = tpu.memref_slice %arg3[%add3A_47] : memref<65536xi32, #tpu.memory_space<hbm>> -> memref<256xi32, #tpu.memory_space<hbm>>
      %dma_wait3A_84 = tpu.memref_slice %arg3[%add3A_47] : memref<65536xi32, #tpu.memory_space<hbm>> -> memref<256xi32, #tpu.memory_space<hbm>>
      tpu.wait_dma2 semaphore(%run_scoped3A : memref<!tpu.dma_semaphore, #tpu.memory_space<semaphore_mem>>) src(%dma_wait3A_84 : memref<256xi32, #tpu.memory_space<hbm>>) dst(%arg6 : memref<256xi32, #tpu.memory_space<vmem>>)
      tpu.yield
    }) : () -> ()
    %dma_start3A_48 = arith.constant 0 : i32
    %dma_start3A_49 = arith.constant 0 : i32
    %dma_start3A_50 = tpu.memref_slice %arg2[%dma_start3A_48, %dma_start3A_49] : memref<8192x128xf32, #tpu.memory_space<hbm>> -> memref<8192x128xf32, #tpu.memory_space<hbm>>
    tpu.enqueue_indirect_dma source(%dma_start3A_50 : memref<8192x128xf32, #tpu.memory_space<hbm>>) target(%arg8 : memref<256x128xf32, #tpu.memory_space<vmem>>) offsets(%arg6 : memref<256xi32, #tpu.memory_space<vmem>>) semaphore(%arg10 : memref<!tpu.dma_semaphore, #tpu.memory_space<semaphore_mem>>)
    %dma_wait3A_51 = arith.constant 0 : i32
    %dma_wait3A_52 = arith.constant 0 : i32
    %dma_wait3A_53 = tpu.memref_slice %arg2[%dma_wait3A_51, %dma_wait3A_52] : memref<8192x128xf32, #tpu.memory_space<hbm>> -> memref<8192x128xf32, #tpu.memory_space<hbm>>
    tpu.wait_indirect_dma semaphore(%arg9 : memref<!tpu.dma_semaphore, #tpu.memory_space<semaphore_mem>>) src(%dma_wait3A_53 : memref<8192x128xf32, #tpu.memory_space<hbm>>) dst(%arg7 : memref<256x128xf32, #tpu.memory_space<vmem>>)
    %add3A_54 = arith.constant 1024 : i32
    %add3A_55 = arith.addi %mul3A_2, %add3A_54 : i32
    "tpu.region"() ({
      %run_scoped3A = tpu.sem_alloc : memref<!tpu.dma_semaphore, #tpu.memory_space<semaphore_mem>>
      %dma_start3A_81 = arith.constant 0 : i32
      %dma_start3A_82 = tpu.memref_slice %arg4[%add3A_55, %dma_start3A_81] : memref<65536x128xf32, #tpu.memory_space<hbm>> -> memref<256x128xf32, #tpu.memory_space<hbm>>
      %dma_start3A_83 = arith.constant 0 : i32
      %dma_start3A_84 = tpu.memref_slice %arg4[%add3A_55, %dma_start3A_83] : memref<65536x128xf32, #tpu.memory_space<hbm>> -> memref<256x128xf32, #tpu.memory_space<hbm>>
      tpu.enqueue_dma source(%arg7 : memref<256x128xf32, #tpu.memory_space<vmem>>) target(%dma_start3A_84 : memref<256x128xf32, #tpu.memory_space<hbm>>) target_semaphore(%run_scoped3A : memref<!tpu.dma_semaphore, #tpu.memory_space<semaphore_mem>>)
      %dma_wait3A_85 = arith.constant 0 : i32
      %dma_wait3A_86 = tpu.memref_slice %arg4[%add3A_55, %dma_wait3A_85] : memref<65536x128xf32, #tpu.memory_space<hbm>> -> memref<256x128xf32, #tpu.memory_space<hbm>>
      %dma_wait3A_87 = arith.constant 0 : i32
      %dma_wait3A_88 = tpu.memref_slice %arg4[%add3A_55, %dma_wait3A_87] : memref<65536x128xf32, #tpu.memory_space<hbm>> -> memref<256x128xf32, #tpu.memory_space<hbm>>
      tpu.wait_dma2 semaphore(%run_scoped3A : memref<!tpu.dma_semaphore, #tpu.memory_space<semaphore_mem>>) src(%arg7 : memref<256x128xf32, #tpu.memory_space<vmem>>) dst(%dma_wait3A_88 : memref<256x128xf32, #tpu.memory_space<hbm>>)
      tpu.yield
    }) : () -> ()
    %add3A_56 = arith.constant 1536 : i32
    %add3A_57 = arith.addi %mul3A_2, %add3A_56 : i32
    "tpu.region"() ({
      %run_scoped3A = tpu.sem_alloc : memref<!tpu.dma_semaphore, #tpu.memory_space<semaphore_mem>>
      %dma_start3A_81 = tpu.memref_slice %arg3[%add3A_57] : memref<65536xi32, #tpu.memory_space<hbm>> -> memref<256xi32, #tpu.memory_space<hbm>>
      %dma_start3A_82 = tpu.memref_slice %arg3[%add3A_57] : memref<65536xi32, #tpu.memory_space<hbm>> -> memref<256xi32, #tpu.memory_space<hbm>>
      tpu.enqueue_dma source(%dma_start3A_82 : memref<256xi32, #tpu.memory_space<hbm>>) target(%arg5 : memref<256xi32, #tpu.memory_space<vmem>>) target_semaphore(%run_scoped3A : memref<!tpu.dma_semaphore, #tpu.memory_space<semaphore_mem>>)
      %dma_wait3A_83 = tpu.memref_slice %arg3[%add3A_57] : memref<65536xi32, #tpu.memory_space<hbm>> -> memref<256xi32, #tpu.memory_space<hbm>>
      %dma_wait3A_84 = tpu.memref_slice %arg3[%add3A_57] : memref<65536xi32, #tpu.memory_space<hbm>> -> memref<256xi32, #tpu.memory_space<hbm>>
      tpu.wait_dma2 semaphore(%run_scoped3A : memref<!tpu.dma_semaphore, #tpu.memory_space<semaphore_mem>>) src(%dma_wait3A_84 : memref<256xi32, #tpu.memory_space<hbm>>) dst(%arg5 : memref<256xi32, #tpu.memory_space<vmem>>)
      tpu.yield
    }) : () -> ()
    %dma_start3A_58 = arith.constant 0 : i32
    %dma_start3A_59 = arith.constant 0 : i32
    %dma_start3A_60 = tpu.memref_slice %arg2[%dma_start3A_58, %dma_start3A_59] : memref<8192x128xf32, #tpu.memory_space<hbm>> -> memref<8192x128xf32, #tpu.memory_space<hbm>>
    tpu.enqueue_indirect_dma source(%dma_start3A_60 : memref<8192x128xf32, #tpu.memory_space<hbm>>) target(%arg7 : memref<256x128xf32, #tpu.memory_space<vmem>>) offsets(%arg5 : memref<256xi32, #tpu.memory_space<vmem>>) semaphore(%arg9 : memref<!tpu.dma_semaphore, #tpu.memory_space<semaphore_mem>>)
    %dma_wait3A_61 = arith.constant 0 : i32
    %dma_wait3A_62 = arith.constant 0 : i32
    %dma_wait3A_63 = tpu.memref_slice %arg2[%dma_wait3A_61, %dma_wait3A_62] : memref<8192x128xf32, #tpu.memory_space<hbm>> -> memref<8192x128xf32, #tpu.memory_space<hbm>>
    tpu.wait_indirect_dma semaphore(%arg10 : memref<!tpu.dma_semaphore, #tpu.memory_space<semaphore_mem>>) src(%dma_wait3A_63 : memref<8192x128xf32, #tpu.memory_space<hbm>>) dst(%arg8 : memref<256x128xf32, #tpu.memory_space<vmem>>)
    %add3A_64 = arith.constant 1280 : i32
    %add3A_65 = arith.addi %mul3A_2, %add3A_64 : i32
    "tpu.region"() ({
      %run_scoped3A = tpu.sem_alloc : memref<!tpu.dma_semaphore, #tpu.memory_space<semaphore_mem>>
      %dma_start3A_81 = arith.constant 0 : i32
      %dma_start3A_82 = tpu.memref_slice %arg4[%add3A_65, %dma_start3A_81] : memref<65536x128xf32, #tpu.memory_space<hbm>> -> memref<256x128xf32, #tpu.memory_space<hbm>>
      %dma_start3A_83 = arith.constant 0 : i32
      %dma_start3A_84 = tpu.memref_slice %arg4[%add3A_65, %dma_start3A_83] : memref<65536x128xf32, #tpu.memory_space<hbm>> -> memref<256x128xf32, #tpu.memory_space<hbm>>
      tpu.enqueue_dma source(%arg8 : memref<256x128xf32, #tpu.memory_space<vmem>>) target(%dma_start3A_84 : memref<256x128xf32, #tpu.memory_space<hbm>>) target_semaphore(%run_scoped3A : memref<!tpu.dma_semaphore, #tpu.memory_space<semaphore_mem>>)
      %dma_wait3A_85 = arith.constant 0 : i32
      %dma_wait3A_86 = tpu.memref_slice %arg4[%add3A_65, %dma_wait3A_85] : memref<65536x128xf32, #tpu.memory_space<hbm>> -> memref<256x128xf32, #tpu.memory_space<hbm>>
      %dma_wait3A_87 = arith.constant 0 : i32
      %dma_wait3A_88 = tpu.memref_slice %arg4[%add3A_65, %dma_wait3A_87] : memref<65536x128xf32, #tpu.memory_space<hbm>> -> memref<256x128xf32, #tpu.memory_space<hbm>>
      tpu.wait_dma2 semaphore(%run_scoped3A : memref<!tpu.dma_semaphore, #tpu.memory_space<semaphore_mem>>) src(%arg8 : memref<256x128xf32, #tpu.memory_space<vmem>>) dst(%dma_wait3A_88 : memref<256x128xf32, #tpu.memory_space<hbm>>)
      tpu.yield
    }) : () -> ()
    %add3A_66 = arith.constant 1792 : i32
    %add3A_67 = arith.addi %mul3A_2, %add3A_66 : i32
    "tpu.region"() ({
      %run_scoped3A = tpu.sem_alloc : memref<!tpu.dma_semaphore, #tpu.memory_space<semaphore_mem>>
      %dma_start3A_81 = tpu.memref_slice %arg3[%add3A_67] : memref<65536xi32, #tpu.memory_space<hbm>> -> memref<256xi32, #tpu.memory_space<hbm>>
      %dma_start3A_82 = tpu.memref_slice %arg3[%add3A_67] : memref<65536xi32, #tpu.memory_space<hbm>> -> memref<256xi32, #tpu.memory_space<hbm>>
      tpu.enqueue_dma source(%dma_start3A_82 : memref<256xi32, #tpu.memory_space<hbm>>) target(%arg6 : memref<256xi32, #tpu.memory_space<vmem>>) target_semaphore(%run_scoped3A : memref<!tpu.dma_semaphore, #tpu.memory_space<semaphore_mem>>)
      %dma_wait3A_83 = tpu.memref_slice %arg3[%add3A_67] : memref<65536xi32, #tpu.memory_space<hbm>> -> memref<256xi32, #tpu.memory_space<hbm>>
      %dma_wait3A_84 = tpu.memref_slice %arg3[%add3A_67] : memref<65536xi32, #tpu.memory_space<hbm>> -> memref<256xi32, #tpu.memory_space<hbm>>
      tpu.wait_dma2 semaphore(%run_scoped3A : memref<!tpu.dma_semaphore, #tpu.memory_space<semaphore_mem>>) src(%dma_wait3A_84 : memref<256xi32, #tpu.memory_space<hbm>>) dst(%arg6 : memref<256xi32, #tpu.memory_space<vmem>>)
      tpu.yield
    }) : () -> ()
    %dma_start3A_68 = arith.constant 0 : i32
    %dma_start3A_69 = arith.constant 0 : i32
    %dma_start3A_70 = tpu.memref_slice %arg2[%dma_start3A_68, %dma_start3A_69] : memref<8192x128xf32, #tpu.memory_space<hbm>> -> memref<8192x128xf32, #tpu.memory_space<hbm>>
    tpu.enqueue_indirect_dma source(%dma_start3A_70 : memref<8192x128xf32, #tpu.memory_space<hbm>>) target(%arg8 : memref<256x128xf32, #tpu.memory_space<vmem>>) offsets(%arg6 : memref<256xi32, #tpu.memory_space<vmem>>) semaphore(%arg10 : memref<!tpu.dma_semaphore, #tpu.memory_space<semaphore_mem>>)
    %dma_wait3A_71 = arith.constant 0 : i32
    %dma_wait3A_72 = arith.constant 0 : i32
    %dma_wait3A_73 = tpu.memref_slice %arg2[%dma_wait3A_71, %dma_wait3A_72] : memref<8192x128xf32, #tpu.memory_space<hbm>> -> memref<8192x128xf32, #tpu.memory_space<hbm>>
    tpu.wait_indirect_dma semaphore(%arg9 : memref<!tpu.dma_semaphore, #tpu.memory_space<semaphore_mem>>) src(%dma_wait3A_73 : memref<8192x128xf32, #tpu.memory_space<hbm>>) dst(%arg7 : memref<256x128xf32, #tpu.memory_space<vmem>>)
    %add3A_74 = arith.constant 1536 : i32
    %add3A_75 = arith.addi %mul3A_2, %add3A_74 : i32
    "tpu.region"() ({
      %run_scoped3A = tpu.sem_alloc : memref<!tpu.dma_semaphore, #tpu.memory_space<semaphore_mem>>
      %dma_start3A_81 = arith.constant 0 : i32
      %dma_start3A_82 = tpu.memref_slice %arg4[%add3A_75, %dma_start3A_81] : memref<65536x128xf32, #tpu.memory_space<hbm>> -> memref<256x128xf32, #tpu.memory_space<hbm>>
      %dma_start3A_83 = arith.constant 0 : i32
      %dma_start3A_84 = tpu.memref_slice %arg4[%add3A_75, %dma_start3A_83] : memref<65536x128xf32, #tpu.memory_space<hbm>> -> memref<256x128xf32, #tpu.memory_space<hbm>>
      tpu.enqueue_dma source(%arg7 : memref<256x128xf32, #tpu.memory_space<vmem>>) target(%dma_start3A_84 : memref<256x128xf32, #tpu.memory_space<hbm>>) target_semaphore(%run_scoped3A : memref<!tpu.dma_semaphore, #tpu.memory_space<semaphore_mem>>)
      %dma_wait3A_85 = arith.constant 0 : i32
      %dma_wait3A_86 = tpu.memref_slice %arg4[%add3A_75, %dma_wait3A_85] : memref<65536x128xf32, #tpu.memory_space<hbm>> -> memref<256x128xf32, #tpu.memory_space<hbm>>
      %dma_wait3A_87 = arith.constant 0 : i32
      %dma_wait3A_88 = tpu.memref_slice %arg4[%add3A_75, %dma_wait3A_87] : memref<65536x128xf32, #tpu.memory_space<hbm>> -> memref<256x128xf32, #tpu.memory_space<hbm>>
      tpu.wait_dma2 semaphore(%run_scoped3A : memref<!tpu.dma_semaphore, #tpu.memory_space<semaphore_mem>>) src(%arg7 : memref<256x128xf32, #tpu.memory_space<vmem>>) dst(%dma_wait3A_88 : memref<256x128xf32, #tpu.memory_space<hbm>>)
      tpu.yield
    }) : () -> ()
    %dma_wait3A_76 = arith.constant 0 : i32
    %dma_wait3A_77 = arith.constant 0 : i32
    %dma_wait3A_78 = tpu.memref_slice %arg2[%dma_wait3A_76, %dma_wait3A_77] : memref<8192x128xf32, #tpu.memory_space<hbm>> -> memref<8192x128xf32, #tpu.memory_space<hbm>>
    tpu.wait_indirect_dma semaphore(%arg10 : memref<!tpu.dma_semaphore, #tpu.memory_space<semaphore_mem>>) src(%dma_wait3A_78 : memref<8192x128xf32, #tpu.memory_space<hbm>>) dst(%arg8 : memref<256x128xf32, #tpu.memory_space<vmem>>)
    %add3A_79 = arith.constant 1792 : i32
    %add3A_80 = arith.addi %mul3A_2, %add3A_79 : i32
    "tpu.region"() ({
      %run_scoped3A = tpu.sem_alloc : memref<!tpu.dma_semaphore, #tpu.memory_space<semaphore_mem>>
      %dma_start3A_81 = arith.constant 0 : i32
      %dma_start3A_82 = tpu.memref_slice %arg4[%add3A_80, %dma_start3A_81] : memref<65536x128xf32, #tpu.memory_space<hbm>> -> memref<256x128xf32, #tpu.memory_space<hbm>>
      %dma_start3A_83 = arith.constant 0 : i32
      %dma_start3A_84 = tpu.memref_slice %arg4[%add3A_80, %dma_start3A_83] : memref<65536x128xf32, #tpu.memory_space<hbm>> -> memref<256x128xf32, #tpu.memory_space<hbm>>
      tpu.enqueue_dma source(%arg8 : memref<256x128xf32, #tpu.memory_space<vmem>>) target(%dma_start3A_84 : memref<256x128xf32, #tpu.memory_space<hbm>>) target_semaphore(%run_scoped3A : memref<!tpu.dma_semaphore, #tpu.memory_space<semaphore_mem>>)
      %dma_wait3A_85 = arith.constant 0 : i32
      %dma_wait3A_86 = tpu.memref_slice %arg4[%add3A_80, %dma_wait3A_85] : memref<65536x128xf32, #tpu.memory_space<hbm>> -> memref<256x128xf32, #tpu.memory_space<hbm>>
      %dma_wait3A_87 = arith.constant 0 : i32
      %dma_wait3A_88 = tpu.memref_slice %arg4[%add3A_80, %dma_wait3A_87] : memref<65536x128xf32, #tpu.memory_space<hbm>> -> memref<256x128xf32, #tpu.memory_space<hbm>>
      tpu.wait_dma2 semaphore(%run_scoped3A : memref<!tpu.dma_semaphore, #tpu.memory_space<semaphore_mem>>) src(%arg8 : memref<256x128xf32, #tpu.memory_space<vmem>>) dst(%dma_wait3A_88 : memref<256x128xf32, #tpu.memory_space<hbm>>)
      tpu.yield
    }) : () -> ()
    return
  }
}

module attributes {stable_mosaic.version = 14 : i64} {
  func.func @_stage_a(%arg0: i32, %arg1: i32, %arg2: memref<1x256x3xf32, #tpu.memory_space<vmem>>, %arg3: memref<1x4096x3xf32, #tpu.memory_space<vmem>>, %arg4: memref<1x256x8xi32, #tpu.memory_space<vmem>>) attributes {dimension_semantics = [#tpu.dimension_semantics<parallel>, #tpu.dimension_semantics<parallel>], iteration_bounds = array<i64: 2, 16>, scalar_prefetch = 0 : i64, scratch_operands = 0 : i64, tpu.core_type = #tpu.core_type<tc>, window_params = [{transform_indices = @transform_0, window_bounds = array<i64: 1, 256, 3>}, {transform_indices = @transform_1, window_bounds = array<i64: 1, 4096, 3>}, {transform_indices = @transform_2, window_bounds = array<i64: 1, 256, 8>}]} {
    %get3A = arith.constant 0 : index
    %get3A_0 = arith.constant 0 : index
    %get3A_1 = arith.constant 0 : index
    %get3A_2 = vector.load %arg2[%get3A, %get3A_0, %get3A_1] : memref<1x256x3xf32, #tpu.memory_space<vmem>>, vector<1x256x3xf32>
    %get3A_3 = vector.shape_cast %get3A_2 : vector<1x256x3xf32> to vector<256x3xf32>
    %get3A_4 = arith.constant 0 : index
    %get3A_5 = arith.constant 0 : index
    %get3A_6 = arith.constant 0 : index
    %get3A_7 = vector.load %arg3[%get3A_4, %get3A_5, %get3A_6] : memref<1x4096x3xf32, #tpu.memory_space<vmem>>, vector<1x4096x3xf32>
    %get3A_8 = vector.shape_cast %get3A_7 : vector<1x4096x3xf32> to vector<4096x3xf32>
    %mul3A = arith.constant 4096 : i32
    %mul3A_9 = arith.muli %arg0, %mul3A : i32
    %mul3A_10 = arith.mulf %get3A_3, %get3A_3 : vector<256x3xf32>
    %reduce_sum3A = arith.constant dense<0.000000e+00> : vector<256xf32>
    %reduce_sum3A_11 = vector.multi_reduction <add>, %mul3A_10, %reduce_sum3A [1] : vector<256x3xf32> to vector<256xf32>
    %broadcast_in_dim3A = vector.shape_cast %reduce_sum3A_11 : vector<256xf32> to vector<256x1xf32>
    %slice3A = vector.extract_strided_slice %get3A_8 {offsets = [0, 0], sizes = [128, 3], strides = [1, 1]} : vector<4096x3xf32> to vector<128x3xf32>
    %mul3A_12 = arith.mulf %slice3A, %slice3A : vector<128x3xf32>
    %reduce_sum3A_13 = arith.constant dense<0.000000e+00> : vector<128xf32>
    %reduce_sum3A_14 = vector.multi_reduction <add>, %mul3A_12, %reduce_sum3A_13 [1] : vector<128x3xf32> to vector<128xf32>
    %reshape3A = vector.shape_cast %reduce_sum3A_14 : vector<128xf32> to vector<1x128xf32>
    %dot_general3A = arith.constant dense<0.000000e+00> : vector<256x128xf32>
    %dot_general3A_15 = tpu.matmul %get3A_3, %slice3A, %dot_general3A {dimension_numbers = #tpu.dot_dimension_numbers<[1], [1], [0], [0], [0, 0, 1, 0], [], []>, transpose_lhs_hint = false} : vector<256x3xf32>, vector<128x3xf32>, vector<256x128xf32> -> vector<256x128xf32>
    %add3A = vector.broadcast %broadcast_in_dim3A : vector<256x1xf32> to vector<256x128xf32>
    %add3A_16 = vector.broadcast %reshape3A : vector<1x128xf32> to vector<256x128xf32>
    %add3A_17 = arith.addf %add3A, %add3A_16 : vector<256x128xf32>
    %mul3A_18 = arith.constant 2.000000e+00 : f32
    %mul3A_19 = vector.broadcast %mul3A_18 : f32 to vector<256x128xf32>
    %mul3A_20 = arith.mulf %mul3A_19, %dot_general3A_15 : vector<256x128xf32>
    %sub3A = arith.subf %add3A_17, %mul3A_20 : vector<256x128xf32>
    %le3A = arith.constant 1.000000e+00 : f32
    %le3A_21 = vector.broadcast %le3A : f32 to vector<256x128xf32>
    %le3A_22 = arith.cmpf ole, %sub3A, %le3A_21 : vector<256x128xf32>
    %convert_element_type3A = arith.extui %le3A_22 : vector<256x128xi1> to vector<256x128xi32>
    %reduce_sum3A_23 = arith.constant dense<0> : vector<256xi32>
    %reduce_sum3A_24 = vector.multi_reduction <add>, %convert_element_type3A, %reduce_sum3A_23 [1] : vector<256x128xi32> to vector<256xi32>
    %reduce_min3A = vector.shape_cast %reduce_sum3A_24 : vector<256xi32> to vector<1x256xi32>
    %reduce_min3A_25 = arith.constant dense<2147483647> : vector<1xi32>
    %reduce_min3A_26 = vector.multi_reduction <minsi>, %reduce_min3A, %reduce_min3A_25 [1] : vector<1x256xi32> to vector<1xi32>
    %reduce_min3A_27 = vector.shape_cast %reduce_min3A_26 : vector<1xi32> to vector<1x1xi32>
    %reduce_min3A_28 = vector.extract %reduce_min3A_27[0, 0] : i32 from vector<1x1xi32>
    %ge3A = arith.constant 8 : i32
    %ge3A_29 = arith.cmpi sge, %reduce_min3A_28, %ge3A : i32
    %convert_element_type3A_30 = arith.extui %ge3A_29 : i1 to i32
    %cond3A = arith.constant 0 : i32
    %cond3A_31 = arith.cmpi ne, %convert_element_type3A_30, %cond3A : i32
    scf.if %cond3A_31 {
      %iota3A = tpu.iota {dimensions = array<i32: 1>} : vector<256x128xi32>
      %le3A_36 = arith.constant 1.000000e+00 : f32
      %le3A_37 = vector.broadcast %le3A_36 : f32 to vector<256x128xf32>
      %le3A_38 = arith.cmpf ole, %sub3A, %le3A_37 : vector<256x128xf32>
      %jit3A = arith.constant 4096 : i32
      %broadcast_in_dim3A_39 = vector.broadcast %jit3A : i32 to vector<256x128xi32>
      %select_n3A = arith.select %le3A_38, %iota3A, %broadcast_in_dim3A_39 : vector<256x128xi1>, vector<256x128xi32>
      %reduce_min3A_40 = arith.constant dense<2147483647> : vector<256xi32>
      %reduce_min3A_41 = vector.multi_reduction <minsi>, %select_n3A, %reduce_min3A_40 [1] : vector<256x128xi32> to vector<256xi32>
      %broadcast_in_dim3A_42 = vector.shape_cast %reduce_min3A_41 : vector<256xi32> to vector<256x1xi32>
      %eq3A = vector.broadcast %broadcast_in_dim3A_42 : vector<256x1xi32> to vector<256x128xi32>
      %eq3A_43 = arith.cmpi eq, %iota3A, %eq3A : vector<256x128xi32>
      %jit3A_44 = arith.constant 4096 : i32
      %broadcast_in_dim3A_45 = vector.broadcast %jit3A_44 : i32 to vector<256x128xi32>
      %select_n3A_46 = arith.select %eq3A_43, %broadcast_in_dim3A_45, %select_n3A : vector<256x128xi1>, vector<256x128xi32>
      %reduce_min3A_47 = arith.constant dense<2147483647> : vector<256xi32>
      %reduce_min3A_48 = vector.multi_reduction <minsi>, %select_n3A_46, %reduce_min3A_47 [1] : vector<256x128xi32> to vector<256xi32>
      %broadcast_in_dim3A_49 = vector.shape_cast %reduce_min3A_48 : vector<256xi32> to vector<256x1xi32>
      %eq3A_50 = vector.broadcast %broadcast_in_dim3A_49 : vector<256x1xi32> to vector<256x128xi32>
      %eq3A_51 = arith.cmpi eq, %iota3A, %eq3A_50 : vector<256x128xi32>
      %jit3A_52 = arith.constant 4096 : i32
      %broadcast_in_dim3A_53 = vector.broadcast %jit3A_52 : i32 to vector<256x128xi32>
      %select_n3A_54 = arith.select %eq3A_51, %broadcast_in_dim3A_53, %select_n3A_46 : vector<256x128xi1>, vector<256x128xi32>
      %reduce_min3A_55 = arith.constant dense<2147483647> : vector<256xi32>
      %reduce_min3A_56 = vector.multi_reduction <minsi>, %select_n3A_54, %reduce_min3A_55 [1] : vector<256x128xi32> to vector<256xi32>
      %broadcast_in_dim3A_57 = vector.shape_cast %reduce_min3A_56 : vector<256xi32> to vector<256x1xi32>
      %eq3A_58 = vector.broadcast %broadcast_in_dim3A_57 : vector<256x1xi32> to vector<256x128xi32>
      %eq3A_59 = arith.cmpi eq, %iota3A, %eq3A_58 : vector<256x128xi32>
      %jit3A_60 = arith.constant 4096 : i32
      %broadcast_in_dim3A_61 = vector.broadcast %jit3A_60 : i32 to vector<256x128xi32>
      %select_n3A_62 = arith.select %eq3A_59, %broadcast_in_dim3A_61, %select_n3A_54 : vector<256x128xi1>, vector<256x128xi32>
      %reduce_min3A_63 = arith.constant dense<2147483647> : vector<256xi32>
      %reduce_min3A_64 = vector.multi_reduction <minsi>, %select_n3A_62, %reduce_min3A_63 [1] : vector<256x128xi32> to vector<256xi32>
      %broadcast_in_dim3A_65 = vector.shape_cast %reduce_min3A_64 : vector<256xi32> to vector<256x1xi32>
      %eq3A_66 = vector.broadcast %broadcast_in_dim3A_65 : vector<256x1xi32> to vector<256x128xi32>
      %eq3A_67 = arith.cmpi eq, %iota3A, %eq3A_66 : vector<256x128xi32>
      %jit3A_68 = arith.constant 4096 : i32
      %broadcast_in_dim3A_69 = vector.broadcast %jit3A_68 : i32 to vector<256x128xi32>
      %select_n3A_70 = arith.select %eq3A_67, %broadcast_in_dim3A_69, %select_n3A_62 : vector<256x128xi1>, vector<256x128xi32>
      %reduce_min3A_71 = arith.constant dense<2147483647> : vector<256xi32>
      %reduce_min3A_72 = vector.multi_reduction <minsi>, %select_n3A_70, %reduce_min3A_71 [1] : vector<256x128xi32> to vector<256xi32>
      %broadcast_in_dim3A_73 = vector.shape_cast %reduce_min3A_72 : vector<256xi32> to vector<256x1xi32>
      %eq3A_74 = vector.broadcast %broadcast_in_dim3A_73 : vector<256x1xi32> to vector<256x128xi32>
      %eq3A_75 = arith.cmpi eq, %iota3A, %eq3A_74 : vector<256x128xi32>
      %jit3A_76 = arith.constant 4096 : i32
      %broadcast_in_dim3A_77 = vector.broadcast %jit3A_76 : i32 to vector<256x128xi32>
      %select_n3A_78 = arith.select %eq3A_75, %broadcast_in_dim3A_77, %select_n3A_70 : vector<256x128xi1>, vector<256x128xi32>
      %reduce_min3A_79 = arith.constant dense<2147483647> : vector<256xi32>
      %reduce_min3A_80 = vector.multi_reduction <minsi>, %select_n3A_78, %reduce_min3A_79 [1] : vector<256x128xi32> to vector<256xi32>
      %broadcast_in_dim3A_81 = vector.shape_cast %reduce_min3A_80 : vector<256xi32> to vector<256x1xi32>
      %eq3A_82 = vector.broadcast %broadcast_in_dim3A_81 : vector<256x1xi32> to vector<256x128xi32>
      %eq3A_83 = arith.cmpi eq, %iota3A, %eq3A_82 : vector<256x128xi32>
      %jit3A_84 = arith.constant 4096 : i32
      %broadcast_in_dim3A_85 = vector.broadcast %jit3A_84 : i32 to vector<256x128xi32>
      %select_n3A_86 = arith.select %eq3A_83, %broadcast_in_dim3A_85, %select_n3A_78 : vector<256x128xi1>, vector<256x128xi32>
      %reduce_min3A_87 = arith.constant dense<2147483647> : vector<256xi32>
      %reduce_min3A_88 = vector.multi_reduction <minsi>, %select_n3A_86, %reduce_min3A_87 [1] : vector<256x128xi32> to vector<256xi32>
      %broadcast_in_dim3A_89 = vector.shape_cast %reduce_min3A_88 : vector<256xi32> to vector<256x1xi32>
      %eq3A_90 = vector.broadcast %broadcast_in_dim3A_89 : vector<256x1xi32> to vector<256x128xi32>
      %eq3A_91 = arith.cmpi eq, %iota3A, %eq3A_90 : vector<256x128xi32>
      %jit3A_92 = arith.constant 4096 : i32
      %broadcast_in_dim3A_93 = vector.broadcast %jit3A_92 : i32 to vector<256x128xi32>
      %select_n3A_94 = arith.select %eq3A_91, %broadcast_in_dim3A_93, %select_n3A_86 : vector<256x128xi1>, vector<256x128xi32>
      %reduce_min3A_95 = arith.constant dense<2147483647> : vector<256xi32>
      %reduce_min3A_96 = vector.multi_reduction <minsi>, %select_n3A_94, %reduce_min3A_95 [1] : vector<256x128xi32> to vector<256xi32>
      %broadcast_in_dim3A_97 = vector.shape_cast %reduce_min3A_96 : vector<256xi32> to vector<256x1xi32>
      %concatenate3A = tpu.concatenate %broadcast_in_dim3A_42, %broadcast_in_dim3A_49, %broadcast_in_dim3A_57, %broadcast_in_dim3A_65, %broadcast_in_dim3A_73, %broadcast_in_dim3A_81, %broadcast_in_dim3A_89, %broadcast_in_dim3A_97 in 1 : vector<256x1xi32>, vector<256x1xi32>, vector<256x1xi32>, vector<256x1xi32>, vector<256x1xi32>, vector<256x1xi32>, vector<256x1xi32>, vector<256x1xi32> -> vector<256x8xi32>
      %add3A_98 = vector.broadcast %mul3A_9 : i32 to vector<256x8xi32>
      %add3A_99 = arith.addi %concatenate3A, %add3A_98 : vector<256x8xi32>
      %swap3A = arith.constant 0 : index
      %swap3A_100 = arith.constant 0 : index
      %swap3A_101 = arith.constant 0 : index
      %swap3A_102 = vector.load %arg4[%swap3A, %swap3A_100, %swap3A_101] : memref<1x256x8xi32, #tpu.memory_space<vmem>>, vector<1x256x8xi32>
      %swap3A_103 = vector.shape_cast %swap3A_102 : vector<1x256x8xi32> to vector<256x8xi32>
      %swap3A_104 = vector.shape_cast %add3A_99 : vector<256x8xi32> to vector<1x256x8xi32>
      tpu.vector_store %arg4[%swap3A, %swap3A_100, %swap3A_101], %swap3A_104 {strides = array<i32>} : memref<1x256x8xi32, #tpu.memory_space<vmem>>, vector<1x256x8xi32>,
    } else {
    }
    %not3A = arith.constant true
    %not3A_32 = arith.xori %ge3A_29, %not3A : i1
    %convert_element_type3A_33 = arith.extui %not3A_32 : i1 to i32
    %cond3A_34 = arith.constant 0 : i32
    %cond3A_35 = arith.cmpi ne, %convert_element_type3A_33, %cond3A_34 : i32
    scf.if %cond3A_35 {
      %mul3A_36 = arith.mulf %get3A_8, %get3A_8 : vector<4096x3xf32>
      %reduce_sum3A_37 = arith.constant dense<0.000000e+00> : vector<4096xf32>
      %reduce_sum3A_38 = vector.multi_reduction <add>, %mul3A_36, %reduce_sum3A_37 [1] : vector<4096x3xf32> to vector<4096xf32>
      %reshape3A_39 = vector.shape_cast %reduce_sum3A_38 : vector<4096xf32> to vector<1x4096xf32>
      %dot_general3A_40 = arith.constant dense<0.000000e+00> : vector<256x4096xf32>
      %dot_general3A_41 = tpu.matmul %get3A_3, %get3A_8, %dot_general3A_40 {dimension_numbers = #tpu.dot_dimension_numbers<[1], [1], [0], [0], [0, 0, 1, 0], [], []>, transpose_lhs_hint = false} : vector<256x3xf32>, vector<4096x3xf32>, vector<256x4096xf32> -> vector<256x4096xf32>
      %add3A_42 = vector.broadcast %broadcast_in_dim3A : vector<256x1xf32> to vector<256x4096xf32>
      %add3A_43 = vector.broadcast %reshape3A_39 : vector<1x4096xf32> to vector<256x4096xf32>
      %add3A_44 = arith.addf %add3A_42, %add3A_43 : vector<256x4096xf32>
      %mul3A_45 = arith.constant 2.000000e+00 : f32
      %mul3A_46 = vector.broadcast %mul3A_45 : f32 to vector<256x4096xf32>
      %mul3A_47 = arith.mulf %mul3A_46, %dot_general3A_41 : vector<256x4096xf32>
      %sub3A_48 = arith.subf %add3A_44, %mul3A_47 : vector<256x4096xf32>
      %iota3A = tpu.iota {dimensions = array<i32: 1>} : vector<256x4096xi32>
      %le3A_49 = arith.constant 1.000000e+00 : f32
      %le3A_50 = vector.broadcast %le3A_49 : f32 to vector<256x4096xf32>
      %le3A_51 = arith.cmpf ole, %sub3A_48, %le3A_50 : vector<256x4096xf32>
      %jit3A = arith.constant 4096 : i32
      %broadcast_in_dim3A_52 = vector.broadcast %jit3A : i32 to vector<256x4096xi32>
      %select_n3A = arith.select %le3A_51, %iota3A, %broadcast_in_dim3A_52 : vector<256x4096xi1>, vector<256x4096xi32>
      %reduce_min3A_53 = arith.constant dense<2147483647> : vector<256xi32>
      %reduce_min3A_54 = vector.multi_reduction <minsi>, %select_n3A, %reduce_min3A_53 [1] : vector<256x4096xi32> to vector<256xi32>
      %broadcast_in_dim3A_55 = vector.shape_cast %reduce_min3A_54 : vector<256xi32> to vector<256x1xi32>
      %eq3A = vector.broadcast %broadcast_in_dim3A_55 : vector<256x1xi32> to vector<256x4096xi32>
      %eq3A_56 = arith.cmpi eq, %iota3A, %eq3A : vector<256x4096xi32>
      %jit3A_57 = arith.constant 4096 : i32
      %broadcast_in_dim3A_58 = vector.broadcast %jit3A_57 : i32 to vector<256x4096xi32>
      %select_n3A_59 = arith.select %eq3A_56, %broadcast_in_dim3A_58, %select_n3A : vector<256x4096xi1>, vector<256x4096xi32>
      %reduce_min3A_60 = arith.constant dense<2147483647> : vector<256xi32>
      %reduce_min3A_61 = vector.multi_reduction <minsi>, %select_n3A_59, %reduce_min3A_60 [1] : vector<256x4096xi32> to vector<256xi32>
      %broadcast_in_dim3A_62 = vector.shape_cast %reduce_min3A_61 : vector<256xi32> to vector<256x1xi32>
      %eq3A_63 = vector.broadcast %broadcast_in_dim3A_62 : vector<256x1xi32> to vector<256x4096xi32>
      %eq3A_64 = arith.cmpi eq, %iota3A, %eq3A_63 : vector<256x4096xi32>
      %jit3A_65 = arith.constant 4096 : i32
      %broadcast_in_dim3A_66 = vector.broadcast %jit3A_65 : i32 to vector<256x4096xi32>
      %select_n3A_67 = arith.select %eq3A_64, %broadcast_in_dim3A_66, %select_n3A_59 : vector<256x4096xi1>, vector<256x4096xi32>
      %reduce_min3A_68 = arith.constant dense<2147483647> : vector<256xi32>
      %reduce_min3A_69 = vector.multi_reduction <minsi>, %select_n3A_67, %reduce_min3A_68 [1] : vector<256x4096xi32> to vector<256xi32>
      %broadcast_in_dim3A_70 = vector.shape_cast %reduce_min3A_69 : vector<256xi32> to vector<256x1xi32>
      %eq3A_71 = vector.broadcast %broadcast_in_dim3A_70 : vector<256x1xi32> to vector<256x4096xi32>
      %eq3A_72 = arith.cmpi eq, %iota3A, %eq3A_71 : vector<256x4096xi32>
      %jit3A_73 = arith.constant 4096 : i32
      %broadcast_in_dim3A_74 = vector.broadcast %jit3A_73 : i32 to vector<256x4096xi32>
      %select_n3A_75 = arith.select %eq3A_72, %broadcast_in_dim3A_74, %select_n3A_67 : vector<256x4096xi1>, vector<256x4096xi32>
      %reduce_min3A_76 = arith.constant dense<2147483647> : vector<256xi32>
      %reduce_min3A_77 = vector.multi_reduction <minsi>, %select_n3A_75, %reduce_min3A_76 [1] : vector<256x4096xi32> to vector<256xi32>
      %broadcast_in_dim3A_78 = vector.shape_cast %reduce_min3A_77 : vector<256xi32> to vector<256x1xi32>
      %eq3A_79 = vector.broadcast %broadcast_in_dim3A_78 : vector<256x1xi32> to vector<256x4096xi32>
      %eq3A_80 = arith.cmpi eq, %iota3A, %eq3A_79 : vector<256x4096xi32>
      %jit3A_81 = arith.constant 4096 : i32
      %broadcast_in_dim3A_82 = vector.broadcast %jit3A_81 : i32 to vector<256x4096xi32>
      %select_n3A_83 = arith.select %eq3A_80, %broadcast_in_dim3A_82, %select_n3A_75 : vector<256x4096xi1>, vector<256x4096xi32>
      %reduce_min3A_84 = arith.constant dense<2147483647> : vector<256xi32>
      %reduce_min3A_85 = vector.multi_reduction <minsi>, %select_n3A_83, %reduce_min3A_84 [1] : vector<256x4096xi32> to vector<256xi32>
      %broadcast_in_dim3A_86 = vector.shape_cast %reduce_min3A_85 : vector<256xi32> to vector<256x1xi32>
      %eq3A_87 = vector.broadcast %broadcast_in_dim3A_86 : vector<256x1xi32> to vector<256x4096xi32>
      %eq3A_88 = arith.cmpi eq, %iota3A, %eq3A_87 : vector<256x4096xi32>
      %jit3A_89 = arith.constant 4096 : i32
      %broadcast_in_dim3A_90 = vector.broadcast %jit3A_89 : i32 to vector<256x4096xi32>
      %select_n3A_91 = arith.select %eq3A_88, %broadcast_in_dim3A_90, %select_n3A_83 : vector<256x4096xi1>, vector<256x4096xi32>
      %reduce_min3A_92 = arith.constant dense<2147483647> : vector<256xi32>
      %reduce_min3A_93 = vector.multi_reduction <minsi>, %select_n3A_91, %reduce_min3A_92 [1] : vector<256x4096xi32> to vector<256xi32>
      %broadcast_in_dim3A_94 = vector.shape_cast %reduce_min3A_93 : vector<256xi32> to vector<256x1xi32>
      %eq3A_95 = vector.broadcast %broadcast_in_dim3A_94 : vector<256x1xi32> to vector<256x4096xi32>
      %eq3A_96 = arith.cmpi eq, %iota3A, %eq3A_95 : vector<256x4096xi32>
      %jit3A_97 = arith.constant 4096 : i32
      %broadcast_in_dim3A_98 = vector.broadcast %jit3A_97 : i32 to vector<256x4096xi32>
      %select_n3A_99 = arith.select %eq3A_96, %broadcast_in_dim3A_98, %select_n3A_91 : vector<256x4096xi1>, vector<256x4096xi32>
      %reduce_min3A_100 = arith.constant dense<2147483647> : vector<256xi32>
      %reduce_min3A_101 = vector.multi_reduction <minsi>, %select_n3A_99, %reduce_min3A_100 [1] : vector<256x4096xi32> to vector<256xi32>
      %broadcast_in_dim3A_102 = vector.shape_cast %reduce_min3A_101 : vector<256xi32> to vector<256x1xi32>
      %eq3A_103 = vector.broadcast %broadcast_in_dim3A_102 : vector<256x1xi32> to vector<256x4096xi32>
      %eq3A_104 = arith.cmpi eq, %iota3A, %eq3A_103 : vector<256x4096xi32>
      %jit3A_105 = arith.constant 4096 : i32
      %broadcast_in_dim3A_106 = vector.broadcast %jit3A_105 : i32 to vector<256x4096xi32>
      %select_n3A_107 = arith.select %eq3A_104, %broadcast_in_dim3A_106, %select_n3A_99 : vector<256x4096xi1>, vector<256x4096xi32>
      %reduce_min3A_108 = arith.constant dense<2147483647> : vector<256xi32>
      %reduce_min3A_109 = vector.multi_reduction <minsi>, %select_n3A_107, %reduce_min3A_108 [1] : vector<256x4096xi32> to vector<256xi32>
      %broadcast_in_dim3A_110 = vector.shape_cast %reduce_min3A_109 : vector<256xi32> to vector<256x1xi32>
      %eq3A_111 = arith.constant 4096 : i32
      %eq3A_112 = vector.broadcast %eq3A_111 : i32 to vector<256x1xi32>
      %eq3A_113 = arith.cmpi eq, %broadcast_in_dim3A_55, %eq3A_112 : vector<256x1xi32>
      %select_n3A_114 = arith.select %eq3A_113, %broadcast_in_dim3A_55, %broadcast_in_dim3A_55 : vector<256x1xi1>, vector<256x1xi32>
      %min3A = arith.constant 4095 : i32
      %min3A_115 = vector.broadcast %min3A : i32 to vector<256x1xi32>
      %min3A_116 = arith.minsi %select_n3A_114, %min3A_115 : vector<256x1xi32>
      %eq3A_117 = arith.constant 4096 : i32
      %eq3A_118 = vector.broadcast %eq3A_117 : i32 to vector<256x1xi32>
      %eq3A_119 = arith.cmpi eq, %broadcast_in_dim3A_62, %eq3A_118 : vector<256x1xi32>
      %select_n3A_120 = arith.select %eq3A_119, %broadcast_in_dim3A_55, %broadcast_in_dim3A_62 : vector<256x1xi1>, vector<256x1xi32>
      %min3A_121 = arith.constant 4095 : i32
      %min3A_122 = vector.broadcast %min3A_121 : i32 to vector<256x1xi32>
      %min3A_123 = arith.minsi %select_n3A_120, %min3A_122 : vector<256x1xi32>
      %eq3A_124 = arith.constant 4096 : i32
      %eq3A_125 = vector.broadcast %eq3A_124 : i32 to vector<256x1xi32>
      %eq3A_126 = arith.cmpi eq, %broadcast_in_dim3A_70, %eq3A_125 : vector<256x1xi32>
      %select_n3A_127 = arith.select %eq3A_126, %broadcast_in_dim3A_55, %broadcast_in_dim3A_70 : vector<256x1xi1>, vector<256x1xi32>
      %min3A_128 = arith.constant 4095 : i32
      %min3A_129 = vector.broadcast %min3A_128 : i32 to vector<256x1xi32>
      %min3A_130 = arith.minsi %select_n3A_127, %min3A_129 : vector<256x1xi32>
      %eq3A_131 = arith.constant 4096 : i32
      %eq3A_132 = vector.broadcast %eq3A_131 : i32 to vector<256x1xi32>
      %eq3A_133 = arith.cmpi eq, %broadcast_in_dim3A_78, %eq3A_132 : vector<256x1xi32>
      %select_n3A_134 = arith.select %eq3A_133, %broadcast_in_dim3A_55, %broadcast_in_dim3A_78 : vector<256x1xi1>, vector<256x1xi32>
      %min3A_135 = arith.constant 4095 : i32
      %min3A_136 = vector.broadcast %min3A_135 : i32 to vector<256x1xi32>
      %min3A_137 = arith.minsi %select_n3A_134, %min3A_136 : vector<256x1xi32>
      %eq3A_138 = arith.constant 4096 : i32
      %eq3A_139 = vector.broadcast %eq3A_138 : i32 to vector<256x1xi32>
      %eq3A_140 = arith.cmpi eq, %broadcast_in_dim3A_86, %eq3A_139 : vector<256x1xi32>
      %select_n3A_141 = arith.select %eq3A_140, %broadcast_in_dim3A_55, %broadcast_in_dim3A_86 : vector<256x1xi1>, vector<256x1xi32>
      %min3A_142 = arith.constant 4095 : i32
      %min3A_143 = vector.broadcast %min3A_142 : i32 to vector<256x1xi32>
      %min3A_144 = arith.minsi %select_n3A_141, %min3A_143 : vector<256x1xi32>
      %eq3A_145 = arith.constant 4096 : i32
      %eq3A_146 = vector.broadcast %eq3A_145 : i32 to vector<256x1xi32>
      %eq3A_147 = arith.cmpi eq, %broadcast_in_dim3A_94, %eq3A_146 : vector<256x1xi32>
      %select_n3A_148 = arith.select %eq3A_147, %broadcast_in_dim3A_55, %broadcast_in_dim3A_94 : vector<256x1xi1>, vector<256x1xi32>
      %min3A_149 = arith.constant 4095 : i32
      %min3A_150 = vector.broadcast %min3A_149 : i32 to vector<256x1xi32>
      %min3A_151 = arith.minsi %select_n3A_148, %min3A_150 : vector<256x1xi32>
      %eq3A_152 = arith.constant 4096 : i32
      %eq3A_153 = vector.broadcast %eq3A_152 : i32 to vector<256x1xi32>
      %eq3A_154 = arith.cmpi eq, %broadcast_in_dim3A_102, %eq3A_153 : vector<256x1xi32>
      %select_n3A_155 = arith.select %eq3A_154, %broadcast_in_dim3A_55, %broadcast_in_dim3A_102 : vector<256x1xi1>, vector<256x1xi32>
      %min3A_156 = arith.constant 4095 : i32
      %min3A_157 = vector.broadcast %min3A_156 : i32 to vector<256x1xi32>
      %min3A_158 = arith.minsi %select_n3A_155, %min3A_157 : vector<256x1xi32>
      %eq3A_159 = arith.constant 4096 : i32
      %eq3A_160 = vector.broadcast %eq3A_159 : i32 to vector<256x1xi32>
      %eq3A_161 = arith.cmpi eq, %broadcast_in_dim3A_110, %eq3A_160 : vector<256x1xi32>
      %select_n3A_162 = arith.select %eq3A_161, %broadcast_in_dim3A_55, %broadcast_in_dim3A_110 : vector<256x1xi1>, vector<256x1xi32>
      %min3A_163 = arith.constant 4095 : i32
      %min3A_164 = vector.broadcast %min3A_163 : i32 to vector<256x1xi32>
      %min3A_165 = arith.minsi %select_n3A_162, %min3A_164 : vector<256x1xi32>
      %concatenate3A = tpu.concatenate %min3A_116, %min3A_123, %min3A_130, %min3A_137, %min3A_144, %min3A_151, %min3A_158, %min3A_165 in 1 : vector<256x1xi32>, vector<256x1xi32>, vector<256x1xi32>, vector<256x1xi32>, vector<256x1xi32>, vector<256x1xi32>, vector<256x1xi32>, vector<256x1xi32> -> vector<256x8xi32>
      %add3A_166 = vector.broadcast %mul3A_9 : i32 to vector<256x8xi32>
      %add3A_167 = arith.addi %concatenate3A, %add3A_166 : vector<256x8xi32>
      %swap3A = arith.constant 0 : index
      %swap3A_168 = arith.constant 0 : index
      %swap3A_169 = arith.constant 0 : index
      %swap3A_170 = vector.load %arg4[%swap3A, %swap3A_168, %swap3A_169] : memref<1x256x8xi32, #tpu.memory_space<vmem>>, vector<1x256x8xi32>
      %swap3A_171 = vector.shape_cast %swap3A_170 : vector<1x256x8xi32> to vector<256x8xi32>
      %swap3A_172 = vector.shape_cast %add3A_167 : vector<256x8xi32> to vector<1x256x8xi32>
      tpu.vector_store %arg4[%swap3A, %swap3A_168, %swap3A_169], %swap3A_172 {strides = array<i32>} : memref<1x256x8xi32, #tpu.memory_space<vmem>>, vector<1x256x8xi32>,
    } else {
    }
    return
  }
  func.func @transform_0(%arg0: i32, %arg1: i32) -> (i32, i32, i32) {
    %c0_i32 = arith.constant 0 : i32
    %c0_i32_0 = arith.constant 0 : i32
    return %arg0, %arg1, %c0_i32 : i32, i32, i32
  }
  func.func @transform_1(%arg0: i32, %arg1: i32) -> (i32, i32, i32) {
    %c0_i32 = arith.constant 0 : i32
    %c0_i32_0 = arith.constant 0 : i32
    %c0_i32_1 = arith.constant 0 : i32
    return %arg0, %c0_i32, %c0_i32_0 : i32, i32, i32
  }
  func.func @transform_2(%arg0: i32, %arg1: i32) -> (i32, i32, i32) {
    %c0_i32 = arith.constant 0 : i32
    %c0_i32_0 = arith.constant 0 : i32
    return %arg0, %arg1, %c0_i32 : i32, i32, i32
  }
}

module attributes {stable_mosaic.version = 14 : i64} {
  func.func @_stage_c(%arg0: i32, %arg1: i32, %arg2: memref<1x4096x128xf32, #tpu.memory_space<vmem>>, %arg3: memref<1x512x64xf32, #tpu.memory_space<vmem>>, %arg4: memref<1x512x3xf32, #tpu.memory_space<vmem>>, %arg5: memref<64x4xf32, #tpu.memory_space<vmem>>, %arg6: memref<1x64xf32, #tpu.memory_space<vmem>>, %arg7: memref<1x4096x4xf32, #tpu.memory_space<vmem>>, %arg8: memref<1x1x2x64xf32, #tpu.memory_space<vmem>>) attributes {dimension_semantics = [#tpu.dimension_semantics<parallel>, #tpu.dimension_semantics<parallel>], iteration_bounds = array<i64: 2, 8>, scalar_prefetch = 0 : i64, scratch_operands = 0 : i64, tpu.core_type = #tpu.core_type<tc>, window_params = [{transform_indices = @transform_0, window_bounds = array<i64: 1, 4096, 128>}, {transform_indices = @transform_1, window_bounds = array<i64: 1, 512, 64>}, {transform_indices = @transform_2, window_bounds = array<i64: 1, 512, 3>}, {pipeline_mode = #tpu.pipeline_mode<synchronous>, transform_indices = @transform_3, window_bounds = array<i64: 64, 4>}, {pipeline_mode = #tpu.pipeline_mode<synchronous>, transform_indices = @transform_4, window_bounds = array<i64: 1, 64>}, {transform_indices = @transform_5, window_bounds = array<i64: 1, 4096, 4>}, {transform_indices = @transform_6, window_bounds = array<i64: 1, 1, 2, 64>}]} {
    %get3A = arith.constant 0 : index
    %get3A_0 = arith.constant 0 : index
    %get3A_1 = arith.constant 0 : index
    %get3A_2 = vector.load %arg2[%get3A, %get3A_0, %get3A_1] : memref<1x4096x128xf32, #tpu.memory_space<vmem>>, vector<1x4096x128xf32>
    %get3A_3 = vector.shape_cast %get3A_2 : vector<1x4096x128xf32> to vector<4096x128xf32>
    %get3A_4 = arith.constant 0 : index
    %get3A_5 = arith.constant 0 : index
    %get3A_6 = arith.constant 0 : index
    %get3A_7 = vector.load %arg3[%get3A_4, %get3A_5, %get3A_6] : memref<1x512x64xf32, #tpu.memory_space<vmem>>, vector<1x512x64xf32>
    %get3A_8 = vector.shape_cast %get3A_7 : vector<1x512x64xf32> to vector<512x64xf32>
    %get3A_9 = arith.constant 0 : index
    %get3A_10 = arith.constant 0 : index
    %get3A_11 = arith.constant 0 : index
    %get3A_12 = vector.load %arg4[%get3A_9, %get3A_10, %get3A_11] : memref<1x512x3xf32, #tpu.memory_space<vmem>>, vector<1x512x3xf32>
    %get3A_13 = vector.shape_cast %get3A_12 : vector<1x512x3xf32> to vector<512x3xf32>
    %broadcast_in_dim3A = vector.shape_cast %get3A_8 : vector<512x64xf32> to vector<512x1x64xf32>
    %broadcast_in_dim3A_14 = vector.shape_cast %broadcast_in_dim3A : vector<512x1x64xf32> to vector<512x1x64xf32>
    %broadcast_in_dim3A_15 = vector.broadcast %broadcast_in_dim3A_14 : vector<512x1x64xf32> to vector<512x8x64xf32>
    %reshape3A = vector.shape_cast %broadcast_in_dim3A_15 : vector<512x8x64xf32> to vector<4096x64xf32>
    %slice3A = vector.extract_strided_slice %get3A_3 {offsets = [0, 0], sizes = [4096, 64], strides = [1, 1]} : vector<4096x128xf32> to vector<4096x64xf32>
    %mul3A = arith.mulf %slice3A, %reshape3A : vector<4096x64xf32>
    %reduce_sum3A = arith.constant dense<0.000000e+00> : vector<4096xf32>
    %reduce_sum3A_16 = vector.multi_reduction <add>, %mul3A, %reduce_sum3A [1] : vector<4096x64xf32> to vector<4096xf32>
    %broadcast_in_dim3A_17 = vector.shape_cast %reduce_sum3A_16 : vector<4096xf32> to vector<4096x1xf32>
    %mul3A_18 = arith.constant 1.250000e-01 : f32
    %mul3A_19 = vector.broadcast %mul3A_18 : f32 to vector<4096x1xf32>
    %mul3A_20 = arith.mulf %broadcast_in_dim3A_17, %mul3A_19 : vector<4096x1xf32>
    %broadcast_in_dim3A_21 = vector.shape_cast %get3A_13 : vector<512x3xf32> to vector<512x1x3xf32>
    %broadcast_in_dim3A_22 = vector.shape_cast %broadcast_in_dim3A_21 : vector<512x1x3xf32> to vector<512x1x3xf32>
    %broadcast_in_dim3A_23 = vector.broadcast %broadcast_in_dim3A_22 : vector<512x1x3xf32> to vector<512x8x3xf32>
    %reshape3A_24 = vector.shape_cast %broadcast_in_dim3A_23 : vector<512x8x3xf32> to vector<4096x3xf32>
    %slice3A_25 = vector.extract_strided_slice %get3A_3 {offsets = [0, 64], sizes = [4096, 3], strides = [1, 1]} : vector<4096x128xf32> to vector<4096x3xf32>
    %sub3A = arith.subf %slice3A_25, %reshape3A_24 : vector<4096x3xf32>
    %concatenate3A = tpu.concatenate %mul3A_20, %sub3A in 1 : vector<4096x1xf32>, vector<4096x3xf32> -> vector<4096x4xf32>
    %swap3A = arith.constant 0 : index
    %swap3A_26 = arith.constant 0 : index
    %swap3A_27 = arith.constant 0 : index
    %swap3A_28 = vector.load %arg7[%swap3A, %swap3A_26, %swap3A_27] : memref<1x4096x4xf32, #tpu.memory_space<vmem>>, vector<1x4096x4xf32>
    %swap3A_29 = vector.shape_cast %swap3A_28 : vector<1x4096x4xf32> to vector<4096x4xf32>
    %swap3A_30 = vector.shape_cast %concatenate3A : vector<4096x4xf32> to vector<1x4096x4xf32>
    tpu.vector_store %arg7[%swap3A, %swap3A_26, %swap3A_27], %swap3A_30 {strides = array<i32>} : memref<1x4096x4xf32, #tpu.memory_space<vmem>>, vector<1x4096x4xf32>,
    %get3A_31 = arith.constant 0 : index
    %get3A_32 = arith.constant 0 : index
    %get3A_33 = vector.load %arg5[%get3A_31, %get3A_32] : memref<64x4xf32, #tpu.memory_space<vmem>>, vector<64x4xf32>
    %dot_general3A = arith.constant dense<0.000000e+00> : vector<4096x64xf32>
    %dot_general3A_34 = tpu.matmul %concatenate3A, %get3A_33, %dot_general3A {dimension_numbers = #tpu.dot_dimension_numbers<[1], [1], [0], [0], [0, 0, 1, 0], [], []>, transpose_lhs_hint = false} : vector<4096x4xf32>, vector<64x4xf32>, vector<4096x64xf32> -> vector<4096x64xf32>
    %get3A_35 = arith.constant 0 : index
    %get3A_36 = arith.constant 0 : index
    %get3A_37 = vector.load %arg6[%get3A_35, %get3A_36] : memref<1x64xf32, #tpu.memory_space<vmem>>, vector<1x64xf32>
    %add3A = vector.broadcast %get3A_37 : vector<1x64xf32> to vector<4096x64xf32>
    %add3A_38 = arith.addf %dot_general3A_34, %add3A : vector<4096x64xf32>
    %reduce_sum3A_39 = arith.constant dense<0.000000e+00> : vector<64xf32>
    %reduce_sum3A_40 = vector.multi_reduction <add>, %add3A_38, %reduce_sum3A_39 [0] : vector<4096x64xf32> to vector<64xf32>
    %swap3A_41 = arith.constant 0 : index
    %swap3A_42 = arith.constant 0 : index
    %swap3A_43 = arith.constant 0 : index
    %swap3A_44 = arith.constant 0 : index
    %swap3A_45 = vector.load %arg8[%swap3A_41, %swap3A_42, %swap3A_43, %swap3A_44] : memref<1x1x2x64xf32, #tpu.memory_space<vmem>>, vector<1x1x1x64xf32>
    %swap3A_46 = vector.shape_cast %swap3A_45 : vector<1x1x1x64xf32> to vector<64xf32>
    %swap3A_47 = vector.shape_cast %reduce_sum3A_40 : vector<64xf32> to vector<1x1x1x64xf32>
    tpu.vector_store %arg8[%swap3A_41, %swap3A_42, %swap3A_43, %swap3A_44], %swap3A_47 {strides = array<i32>} : memref<1x1x2x64xf32, #tpu.memory_space<vmem>>, vector<1x1x1x64xf32>,
    %mul3A_48 = arith.mulf %add3A_38, %add3A_38 : vector<4096x64xf32>
    %reduce_sum3A_49 = arith.constant dense<0.000000e+00> : vector<64xf32>
    %reduce_sum3A_50 = vector.multi_reduction <add>, %mul3A_48, %reduce_sum3A_49 [0] : vector<4096x64xf32> to vector<64xf32>
    %swap3A_51 = arith.constant 0 : index
    %swap3A_52 = arith.constant 0 : index
    %swap3A_53 = arith.constant 1 : index
    %swap3A_54 = arith.constant 0 : index
    %swap3A_55 = vector.load %arg8[%swap3A_51, %swap3A_52, %swap3A_53, %swap3A_54] : memref<1x1x2x64xf32, #tpu.memory_space<vmem>>, vector<1x1x1x64xf32>
    %swap3A_56 = vector.shape_cast %swap3A_55 : vector<1x1x1x64xf32> to vector<64xf32>
    %swap3A_57 = vector.shape_cast %reduce_sum3A_50 : vector<64xf32> to vector<1x1x1x64xf32>
    tpu.vector_store %arg8[%swap3A_51, %swap3A_52, %swap3A_53, %swap3A_54], %swap3A_57 {strides = array<i32>} : memref<1x1x2x64xf32, #tpu.memory_space<vmem>>, vector<1x1x1x64xf32>,
    return
  }
  func.func @transform_0(%arg0: i32, %arg1: i32) -> (i32, i32, i32) {
    %c0_i32 = arith.constant 0 : i32
    %c0_i32_0 = arith.constant 0 : i32
    return %arg0, %arg1, %c0_i32 : i32, i32, i32
  }
  func.func @transform_1(%arg0: i32, %arg1: i32) -> (i32, i32, i32) {
    %c0_i32 = arith.constant 0 : i32
    %c0_i32_0 = arith.constant 0 : i32
    return %arg0, %arg1, %c0_i32 : i32, i32, i32
  }
  func.func @transform_2(%arg0: i32, %arg1: i32) -> (i32, i32, i32) {
    %c0_i32 = arith.constant 0 : i32
    %c0_i32_0 = arith.constant 0 : i32
    return %arg0, %arg1, %c0_i32 : i32, i32, i32
  }
  func.func @transform_3(%arg0: i32, %arg1: i32) -> (i32, i32) {
    %c0_i32 = arith.constant 0 : i32
    %c0_i32_0 = arith.constant 0 : i32
    %c0_i32_1 = arith.constant 0 : i32
    return %c0_i32, %c0_i32_0 : i32, i32
  }
  func.func @transform_4(%arg0: i32, %arg1: i32) -> (i32, i32) {
    %c0_i32 = arith.constant 0 : i32
    %c0_i32_0 = arith.constant 0 : i32
    %c0_i32_1 = arith.constant 0 : i32
    return %c0_i32, %c0_i32_0 : i32, i32
  }
  func.func @transform_5(%arg0: i32, %arg1: i32) -> (i32, i32, i32) {
    %c0_i32 = arith.constant 0 : i32
    %c0_i32_0 = arith.constant 0 : i32
    return %arg0, %arg1, %c0_i32 : i32, i32, i32
  }
  func.func @transform_6(%arg0: i32, %arg1: i32) -> (i32, i32, i32, i32) {
    %c0_i32 = arith.constant 0 : i32
    %c0_i32_0 = arith.constant 0 : i32
    %c0_i32_1 = arith.constant 0 : i32
    return %arg0, %arg1, %c0_i32, %c0_i32_0 : i32, i32, i32, i32
  }
}

module attributes {stable_mosaic.version = 14 : i64} {
  func.func @_stage_b(%arg0: i32, %arg1: i32, %arg2: memref<1x8192x4xf32, #tpu.memory_space<vmem>>, %arg3: memref<1x8x2x64xf32, #tpu.memory_space<vmem>>, %arg4: memref<64x4xf32, #tpu.memory_space<vmem>>, %arg5: memref<1x64xf32, #tpu.memory_space<vmem>>, %arg6: memref<1x64xf32, #tpu.memory_space<vmem>>, %arg7: memref<1x64xf32, #tpu.memory_space<vmem>>, %arg8: memref<1x1xf32, #tpu.memory_space<vmem>>, %arg9: memref<64x64xf32, #tpu.memory_space<vmem>>, %arg10: memref<64x1xf32, #tpu.memory_space<vmem>>, %arg11: memref<1x64x1024xf32, #tpu.memory_space<vmem>>) attributes {dimension_semantics = [#tpu.dimension_semantics<parallel>, #tpu.dimension_semantics<parallel>], iteration_bounds = array<i64: 2, 4>, scalar_prefetch = 0 : i64, scratch_operands = 0 : i64, tpu.core_type = #tpu.core_type<tc>, window_params = [{transform_indices = @transform_0, window_bounds = array<i64: 1, 8192, 4>}, {transform_indices = @transform_1, window_bounds = array<i64: 1, 8, 2, 64>}, {pipeline_mode = #tpu.pipeline_mode<synchronous>, transform_indices = @transform_2, window_bounds = array<i64: 64, 4>}, {pipeline_mode = #tpu.pipeline_mode<synchronous>, transform_indices = @transform_3, window_bounds = array<i64: 1, 64>}, {pipeline_mode = #tpu.pipeline_mode<synchronous>, transform_indices = @transform_4, window_bounds = array<i64: 1, 64>}, {pipeline_mode = #tpu.pipeline_mode<synchronous>, transform_indices = @transform_5, window_bounds = array<i64: 1, 64>}, {pipeline_mode = #tpu.pipeline_mode<synchronous>, transform_indices = @transform_6, window_bounds = array<i64: 1, 1>}, {pipeline_mode = #tpu.pipeline_mode<synchronous>, transform_indices = @transform_7, window_bounds = array<i64: 64, 64>}, {pipeline_mode = #tpu.pipeline_mode<synchronous>, transform_indices = @transform_8, window_bounds = array<i64: 64, 1>}, {transform_indices = @transform_9, window_bounds = array<i64: 1, 64, 1024>}]} {
    %get3A = arith.constant 0 : index
    %get3A_0 = arith.constant 0 : index
    %get3A_1 = arith.constant 0 : index
    %get3A_2 = arith.constant 0 : index
    %get3A_3 = vector.load %arg3[%get3A, %get3A_0, %get3A_1, %get3A_2] : memref<1x8x2x64xf32, #tpu.memory_space<vmem>>, vector<1x8x1x64xf32>
    %get3A_4 = vector.shape_cast %get3A_3 : vector<1x8x1x64xf32> to vector<8x64xf32>
    %reduce_sum3A = arith.constant dense<0.000000e+00> : vector<64xf32>
    %reduce_sum3A_5 = vector.multi_reduction <add>, %get3A_4, %reduce_sum3A [0] : vector<8x64xf32> to vector<64xf32>
    %broadcast_in_dim3A = vector.shape_cast %reduce_sum3A_5 : vector<64xf32> to vector<1x64xf32>
    %get3A_6 = arith.constant 0 : index
    %get3A_7 = arith.constant 0 : index
    %get3A_8 = arith.constant 1 : index
    %get3A_9 = arith.constant 0 : index
    %get3A_10 = vector.load %arg3[%get3A_6, %get3A_7, %get3A_8, %get3A_9] : memref<1x8x2x64xf32, #tpu.memory_space<vmem>>, vector<1x8x1x64xf32>
    %get3A_11 = vector.shape_cast %get3A_10 : vector<1x8x1x64xf32> to vector<8x64xf32>
    %reduce_sum3A_12 = arith.constant dense<0.000000e+00> : vector<64xf32>
    %reduce_sum3A_13 = vector.multi_reduction <add>, %get3A_11, %reduce_sum3A_12 [0] : vector<8x64xf32> to vector<64xf32>
    %broadcast_in_dim3A_14 = vector.shape_cast %reduce_sum3A_13 : vector<64xf32> to vector<1x64xf32>
    %iota3A = tpu.iota {dimensions = array<i32: 0>} : vector<64x64xi32>
    %jit3A = arith.constant 8 : i32
    %div3A = vector.broadcast %jit3A : i32 to vector<64x64xi32>
    %div3A_15 = arith.divsi %iota3A, %div3A : vector<64x64xi32>
    %sign3A = arith.constant 0 : i32
    %sign3A_16 = vector.broadcast %sign3A : i32 to vector<64x64xi32>
    %sign3A_17 = arith.cmpi sgt, %iota3A, %sign3A_16 : vector<64x64xi32>
    %sign3A_18 = arith.extui %sign3A_17 : vector<64x64xi1> to vector<64x64xi32>
    %sign3A_19 = arith.constant 0 : i32
    %sign3A_20 = vector.broadcast %sign3A_19 : i32 to vector<64x64xi32>
    %sign3A_21 = arith.cmpi slt, %iota3A, %sign3A_20 : vector<64x64xi32>
    %sign3A_22 = arith.extui %sign3A_21 : vector<64x64xi1> to vector<64x64xi32>
    %sign3A_23 = arith.subi %sign3A_18, %sign3A_22 : vector<64x64xi32>
    %sign3A_24 = arith.constant 0 : i32
    %sign3A_25 = arith.cmpi sgt, %jit3A, %sign3A_24 : i32
    %sign3A_26 = arith.extui %sign3A_25 : i1 to i32
    %sign3A_27 = arith.constant 0 : i32
    %sign3A_28 = arith.cmpi slt, %jit3A, %sign3A_27 : i32
    %sign3A_29 = arith.extui %sign3A_28 : i1 to i32
    %sign3A_30 = arith.subi %sign3A_26, %sign3A_29 : i32
    %ne3A = vector.broadcast %sign3A_30 : i32 to vector<64x64xi32>
    %ne3A_31 = arith.cmpi ne, %sign3A_23, %ne3A : vector<64x64xi32>
    %rem3A = vector.broadcast %jit3A : i32 to vector<64x64xi32>
    %rem3A_32 = arith.remsi %iota3A, %rem3A : vector<64x64xi32>
    %ne3A_33 = arith.constant 0 : i32
    %ne3A_34 = vector.broadcast %ne3A_33 : i32 to vector<64x64xi32>
    %ne3A_35 = arith.cmpi ne, %rem3A_32, %ne3A_34 : vector<64x64xi32>
    %and3A = arith.andi %ne3A_31, %ne3A_35 : vector<64x64xi1>
    %sub3A = arith.constant 1 : i32
    %sub3A_36 = vector.broadcast %sub3A : i32 to vector<64x64xi32>
    %sub3A_37 = arith.subi %div3A_15, %sub3A_36 : vector<64x64xi32>
    %select_n3A = arith.select %and3A, %sub3A_37, %div3A_15 : vector<64x64xi1>, vector<64x64xi32>
    %iota3A_38 = tpu.iota {dimensions = array<i32: 1>} : vector<64x64xi32>
    %jit3A_39 = arith.constant 8 : i32
    %div3A_40 = vector.broadcast %jit3A_39 : i32 to vector<64x64xi32>
    %div3A_41 = arith.divsi %iota3A_38, %div3A_40 : vector<64x64xi32>
    %sign3A_42 = arith.constant 0 : i32
    %sign3A_43 = vector.broadcast %sign3A_42 : i32 to vector<64x64xi32>
    %sign3A_44 = arith.cmpi sgt, %iota3A_38, %sign3A_43 : vector<64x64xi32>
    %sign3A_45 = arith.extui %sign3A_44 : vector<64x64xi1> to vector<64x64xi32>
    %sign3A_46 = arith.constant 0 : i32
    %sign3A_47 = vector.broadcast %sign3A_46 : i32 to vector<64x64xi32>
    %sign3A_48 = arith.cmpi slt, %iota3A_38, %sign3A_47 : vector<64x64xi32>
    %sign3A_49 = arith.extui %sign3A_48 : vector<64x64xi1> to vector<64x64xi32>
    %sign3A_50 = arith.subi %sign3A_45, %sign3A_49 : vector<64x64xi32>
    %sign3A_51 = arith.constant 0 : i32
    %sign3A_52 = arith.cmpi sgt, %jit3A_39, %sign3A_51 : i32
    %sign3A_53 = arith.extui %sign3A_52 : i1 to i32
    %sign3A_54 = arith.constant 0 : i32
    %sign3A_55 = arith.cmpi slt, %jit3A_39, %sign3A_54 : i32
    %sign3A_56 = arith.extui %sign3A_55 : i1 to i32
    %sign3A_57 = arith.subi %sign3A_53, %sign3A_56 : i32
    %ne3A_58 = vector.broadcast %sign3A_57 : i32 to vector<64x64xi32>
    %ne3A_59 = arith.cmpi ne, %sign3A_50, %ne3A_58 : vector<64x64xi32>
    %rem3A_60 = vector.broadcast %jit3A_39 : i32 to vector<64x64xi32>
    %rem3A_61 = arith.remsi %iota3A_38, %rem3A_60 : vector<64x64xi32>
    %ne3A_62 = arith.constant 0 : i32
    %ne3A_63 = vector.broadcast %ne3A_62 : i32 to vector<64x64xi32>
    %ne3A_64 = arith.cmpi ne, %rem3A_61, %ne3A_63 : vector<64x64xi32>
    %and3A_65 = arith.andi %ne3A_59, %ne3A_64 : vector<64x64xi1>
    %sub3A_66 = arith.constant 1 : i32
    %sub3A_67 = vector.broadcast %sub3A_66 : i32 to vector<64x64xi32>
    %sub3A_68 = arith.subi %div3A_41, %sub3A_67 : vector<64x64xi32>
    %select_n3A_69 = arith.select %and3A_65, %sub3A_68, %div3A_41 : vector<64x64xi1>, vector<64x64xi32>
    %eq3A = arith.cmpi eq, %select_n3A, %select_n3A_69 : vector<64x64xi32>
    %convert_element_type3A = arith.extui %eq3A : vector<64x64xi1> to vector<64x64xi32>
    %convert_element_type3A_70 = arith.sitofp %convert_element_type3A : vector<64x64xi32> to vector<64x64xf32>
    %dot_general3A = arith.constant dense<0.000000e+00> : vector<1x64xf32>
    %dot_general3A_71 = tpu.matmul %broadcast_in_dim3A, %convert_element_type3A_70, %dot_general3A {dimension_numbers = #tpu.dot_dimension_numbers<[1], [0], [0], [1], [0, 0, 1, 1], [], []>, transpose_lhs_hint = false} : vector<1x64xf32>, vector<64x64xf32>, vector<1x64xf32> -> vector<1x64xf32>
    %div3A_72 = arith.constant 2.621440e+05 : f32
    %div3A_73 = vector.broadcast %div3A_72 : f32 to vector<1x64xf32>
    %div3A_74 = arith.divf %dot_general3A_71, %div3A_73 : vector<1x64xf32>
    %dot_general3A_75 = arith.constant dense<0.000000e+00> : vector<1x64xf32>
    %dot_general3A_76 = tpu.matmul %broadcast_in_dim3A_14, %convert_element_type3A_70, %dot_general3A_75 {dimension_numbers = #tpu.dot_dimension_numbers<[1], [0], [0], [1], [0, 0, 1, 1], [], []>, transpose_lhs_hint = false} : vector<1x64xf32>, vector<64x64xf32>, vector<1x64xf32> -> vector<1x64xf32>
    %div3A_77 = arith.constant 2.621440e+05 : f32
    %div3A_78 = vector.broadcast %div3A_77 : f32 to vector<1x64xf32>
    %div3A_79 = arith.divf %dot_general3A_76, %div3A_78 : vector<1x64xf32>
    %mul3A = arith.mulf %div3A_74, %div3A_74 : vector<1x64xf32>
    %sub3A_80 = arith.subf %div3A_79, %mul3A : vector<1x64xf32>
    %add3A = arith.constant 9.99999974E-6 : f32
    %add3A_81 = vector.broadcast %add3A : f32 to vector<1x64xf32>
    %add3A_82 = arith.addf %sub3A_80, %add3A_81 : vector<1x64xf32>
    %rsqrt3A = math.rsqrt %add3A_82 : vector<1x64xf32>
    %get3A_83 = arith.constant 0 : index
    %get3A_84 = arith.constant 0 : index
    %get3A_85 = vector.load %arg6[%get3A_83, %get3A_84] : memref<1x64xf32, #tpu.memory_space<vmem>>, vector<1x64xf32>
    %mul3A_86 = arith.mulf %get3A_85, %rsqrt3A : vector<1x64xf32>
    %get3A_87 = arith.constant 0 : index
    %get3A_88 = arith.constant 0 : index
    %get3A_89 = vector.load %arg7[%get3A_87, %get3A_88] : memref<1x64xf32, #tpu.memory_space<vmem>>, vector<1x64xf32>
    %mul3A_90 = arith.mulf %div3A_74, %mul3A_86 : vector<1x64xf32>
    %sub3A_91 = arith.subf %get3A_89, %mul3A_90 : vector<1x64xf32>
    %get3A_92 = arith.constant 0 : index
    %get3A_93 = arith.constant 0 : index
    %get3A_94 = arith.constant 0 : index
    %get3A_95 = vector.load %arg2[%get3A_92, %get3A_93, %get3A_94] : memref<1x8192x4xf32, #tpu.memory_space<vmem>>, vector<1x8192x4xf32>
    %get3A_96 = vector.shape_cast %get3A_95 : vector<1x8192x4xf32> to vector<8192x4xf32>
    %get3A_97 = arith.constant 0 : index
    %get3A_98 = arith.constant 0 : index
    %get3A_99 = vector.load %arg4[%get3A_97, %get3A_98] : memref<64x4xf32, #tpu.memory_space<vmem>>, vector<64x4xf32>
    %dot_general3A_100 = arith.constant dense<0.000000e+00> : vector<8192x64xf32>
    %dot_general3A_101 = tpu.matmul %get3A_96, %get3A_99, %dot_general3A_100 {dimension_numbers = #tpu.dot_dimension_numbers<[1], [1], [0], [0], [0, 0, 1, 0], [], []>, transpose_lhs_hint = false} : vector<8192x4xf32>, vector<64x4xf32>, vector<8192x64xf32> -> vector<8192x64xf32>
    %get3A_102 = arith.constant 0 : index
    %get3A_103 = arith.constant 0 : index
    %get3A_104 = vector.load %arg5[%get3A_102, %get3A_103] : memref<1x64xf32, #tpu.memory_space<vmem>>, vector<1x64xf32>
    %add3A_105 = vector.broadcast %get3A_104 : vector<1x64xf32> to vector<8192x64xf32>
    %add3A_106 = arith.addf %dot_general3A_101, %add3A_105 : vector<8192x64xf32>
    %mul3A_107 = vector.broadcast %mul3A_86 : vector<1x64xf32> to vector<8192x64xf32>
    %mul3A_108 = arith.mulf %add3A_106, %mul3A_107 : vector<8192x64xf32>
    %add3A_109 = vector.broadcast %sub3A_91 : vector<1x64xf32> to vector<8192x64xf32>
    %add3A_110 = arith.addf %mul3A_108, %add3A_109 : vector<8192x64xf32>
    %get3A_111 = arith.constant 0 : index
    %get3A_112 = arith.constant 0 : index
    %get3A_113 = vector.load %arg8[%get3A_111, %get3A_112] : memref<1x1xf32, #tpu.memory_space<vmem>>, vector<1x1xf32>
    %get3A_114 = vector.extract %get3A_113[0, 0] : f32 from vector<1x1xf32>
    %ge3A = arith.constant 0.000000e+00 : f32
    %ge3A_115 = vector.broadcast %ge3A : f32 to vector<8192x64xf32>
    %ge3A_116 = arith.cmpf oge, %add3A_110, %ge3A_115 : vector<8192x64xf32>
    %mul3A_117 = vector.broadcast %get3A_114 : f32 to vector<8192x64xf32>
    %mul3A_118 = arith.mulf %mul3A_117, %add3A_110 : vector<8192x64xf32>
    %select_n3A_119 = arith.select %ge3A_116, %add3A_110, %mul3A_118 : vector<8192x64xi1>, vector<8192x64xf32>
    %reshape3A = vector.shape_cast %select_n3A_119 : vector<8192x64xf32> to vector<1024x8x64xf32>
    %reduce_max3A = arith.constant dense<0xFF800000> : vector<1024x64xf32>
    %reduce_max3A_120 = vector.multi_reduction <maximumf>, %reshape3A, %reduce_max3A [1] : vector<1024x8x64xf32> to vector<1024x64xf32>
    %get3A_121 = arith.constant 0 : index
    %get3A_122 = arith.constant 0 : index
    %get3A_123 = vector.load %arg9[%get3A_121, %get3A_122] : memref<64x64xf32, #tpu.memory_space<vmem>>, vector<64x64xf32>
    %dot_general3A_124 = arith.constant dense<0.000000e+00> : vector<64x1024xf32>
    %dot_general3A_125 = tpu.matmul %get3A_123, %reduce_max3A_120, %dot_general3A_124 {dimension_numbers = #tpu.dot_dimension_numbers<[1], [1], [0], [0], [0, 0, 1, 0], [], []>, transpose_lhs_hint = false} : vector<64x64xf32>, vector<1024x64xf32>, vector<64x1024xf32> -> vector<64x1024xf32>
    %get3A_126 = arith.constant 0 : index
    %get3A_127 = arith.constant 0 : index
    %get3A_128 = vector.load %arg10[%get3A_126, %get3A_127] : memref<64x1xf32, #tpu.memory_space<vmem>>, vector<64x1xf32>
    %add3A_129 = vector.broadcast %get3A_128 : vector<64x1xf32> to vector<64x1024xf32>
    %add3A_130 = arith.addf %dot_general3A_125, %add3A_129 : vector<64x1024xf32>
    %swap3A = arith.constant 0 : index
    %swap3A_131 = arith.constant 0 : index
    %swap3A_132 = arith.constant 0 : index
    %swap3A_133 = vector.load %arg11[%swap3A, %swap3A_131, %swap3A_132] : memref<1x64x1024xf32, #tpu.memory_space<vmem>>, vector<1x64x1024xf32>
    %swap3A_134 = vector.shape_cast %swap3A_133 : vector<1x64x1024xf32> to vector<64x1024xf32>
    %swap3A_135 = vector.shape_cast %add3A_130 : vector<64x1024xf32> to vector<1x64x1024xf32>
    tpu.vector_store %arg11[%swap3A, %swap3A_131, %swap3A_132], %swap3A_135 {strides = array<i32>} : memref<1x64x1024xf32, #tpu.memory_space<vmem>>, vector<1x64x1024xf32>,
    return
  }
  func.func @transform_0(%arg0: i32, %arg1: i32) -> (i32, i32, i32) {
    %c0_i32 = arith.constant 0 : i32
    %c0_i32_0 = arith.constant 0 : i32
    return %arg0, %arg1, %c0_i32 : i32, i32, i32
  }
  func.func @transform_1(%arg0: i32, %arg1: i32) -> (i32, i32, i32, i32) {
    %c0_i32 = arith.constant 0 : i32
    %c0_i32_0 = arith.constant 0 : i32
    %c0_i32_1 = arith.constant 0 : i32
    %c0_i32_2 = arith.constant 0 : i32
    return %arg0, %c0_i32, %c0_i32_0, %c0_i32_1 : i32, i32, i32, i32
  }
  func.func @transform_2(%arg0: i32, %arg1: i32) -> (i32, i32) {
    %c0_i32 = arith.constant 0 : i32
    %c0_i32_0 = arith.constant 0 : i32
    %c0_i32_1 = arith.constant 0 : i32
    return %c0_i32, %c0_i32_0 : i32, i32
  }
  func.func @transform_3(%arg0: i32, %arg1: i32) -> (i32, i32) {
    %c0_i32 = arith.constant 0 : i32
    %c0_i32_0 = arith.constant 0 : i32
    %c0_i32_1 = arith.constant 0 : i32
    return %c0_i32, %c0_i32_0 : i32, i32
  }
  func.func @transform_4(%arg0: i32, %arg1: i32) -> (i32, i32) {
    %c0_i32 = arith.constant 0 : i32
    %c0_i32_0 = arith.constant 0 : i32
    %c0_i32_1 = arith.constant 0 : i32
    return %c0_i32, %c0_i32_0 : i32, i32
  }
  func.func @transform_5(%arg0: i32, %arg1: i32) -> (i32, i32) {
    %c0_i32 = arith.constant 0 : i32
    %c0_i32_0 = arith.constant 0 : i32
    %c0_i32_1 = arith.constant 0 : i32
    return %c0_i32, %c0_i32_0 : i32, i32
  }
  func.func @transform_6(%arg0: i32, %arg1: i32) -> (i32, i32) {
    %c0_i32 = arith.constant 0 : i32
    %c0_i32_0 = arith.constant 0 : i32
    %c0_i32_1 = arith.constant 0 : i32
    return %c0_i32, %c0_i32_0 : i32, i32
  }
  func.func @transform_7(%arg0: i32, %arg1: i32) -> (i32, i32) {
    %c0_i32 = arith.constant 0 : i32
    %c0_i32_0 = arith.constant 0 : i32
    %c0_i32_1 = arith.constant 0 : i32
    return %c0_i32, %c0_i32_0 : i32, i32
  }
  func.func @transform_8(%arg0: i32, %arg1: i32) -> (i32, i32) {
    %c0_i32 = arith.constant 0 : i32
    %c0_i32_0 = arith.constant 0 : i32
    %c0_i32_1 = arith.constant 0 : i32
    return %c0_i32, %c0_i32_0 : i32, i32
  }
  func.func @transform_9(%arg0: i32, %arg1: i32) -> (i32, i32, i32) {
    %c0_i32 = arith.constant 0 : i32
    %c0_i32_0 = arith.constant 0 : i32
    return %arg0, %c0_i32, %arg1 : i32, i32, i32
  }
}

</mosaic_0001>

<sc_bundles>
// kernel: kernel.6.cloned.1.call-start
scs
__scs_entry_jumppad:
0x0: {  	(pc) =	sbr.rel $0x88, $3  }
0x1: {  	(tag) =	ssettag $0x0;
	lr =	simm.s32 $0x1  }
0x2: {  	[smem:$0x3F96] =	sst lr;
	_ =	strace $0xD0000000  }
0x3: {  	_ = 	snop  }
0x4: {  	_ = 	snop  }
0x5: {  	_ = 	snop  }
0x6: {  	_ = 	snop  }
0x7: {  	_ = 	snop  }
__scs_overlays_trampoline_lowered:
0x8: {  	[smem:$0x3FA5] =	sst s0  }
0x9: {  	[smem:$0x3FA6] =	sst s1  }
0xa: {  	[smem:$0x3FA7] =	sst s2  }
0xb: {  	[smem:$0x3FA8] =	sst s3  }
0xc: {  	[smem:$0x3FA9] =	sst s4  }
0xd: {  	[smem:$0x3FAA] =	sst s5  }
0xe: {  	[smem:$0x3FAB] =	sst s6  }
0xf: {  	[smem:$0x3FAC] =	sst s7  }
0x10: {  	[smem:$0x3FAD] =	sst s8  }
0x11: {  	[smem:$0x3FAE] =	sst s9;
	s0 =	simm.s32 @!p0 $0x0  }
0x12: {  	s1 =	sld [smem:$0x3F94];
	s0 =	simm.s32 @p0 $0x1  }
0x13: {  	[smem:$0x3FAF] =	sst s0;
	s0 =	simm.s32 @!p1 $0x0  }
0x14: {  	s2 =	sld [smem:$0x3F93];
	s0 =	simm.s32 @p1 $0x1  }
0x15: {  	[smem:$0x3FB0] =	sst s0;
	s0 =	simm.s32 @!p2 $0x0  }
0x16: {  	s3 =	sld [smem:$0x3FDB];
	s0 =	simm.s32 @p2 $0x1  }
0x17: {  	s4 =	simm.s32 $0x1BF5;
	[smem:$0x3FB2] =	sst s0  }
0x18: {  	s0 =	sld [smem:$0x3F95];
	_ =	swait.ge [sflag:s4], $0x0  }
0x19: {  	s7 =	sld [smem:$0x3F96]  }
0x1a: {  	s8 =	sadd.s32 $0xFFFFE003, lr  }
0x1b: {  	s9 =	sadd.s32 $0xFFFFFEF7, lr;
	s5 =	simm.s32 $0xFFFFFFFF;
	p2 =	slt.u32 s8, $0xFFFFF086  }
0x1c: {  	p1 =	slt.u32 s9, $0xF7A;
	s5 =	simm.s32 @!p2 $0x0  }
0x1d: {  	s5 =	simm.s32 @p1 $0x1;
	p0 =	seq.s32 s7, s2  }
0x1e: {  	s7 =	smul.u32 @!p0 $0xF7A, s2;
	p2 =	seq.s32 @!p0 s5, $0x0  }
0x1f: {  	s9 =	smul.u32 $0xF7A, s1;
	s8 =	simm.s32 @!p0 $0x1BF5;
	p2 =	por !p2, p0  }
0x20: {  	[sflag:s8] =	ssyncset.s32 @!p0 $0xFFFFF086;
	s6 =	sadd.s32 @!p0 s3, s7;
	s7 =	simm.s32 @!p0 $0x108  }
0x21: {  	s3 =	sadd.s32 s3, s9;
	s6 =	sadd.s32 @!p0 $0x88, s6;
	s7 =	simm.s32 @p2 $0x1082  }
0x22: {  	[simem:s7], [sflag:s8] =	dma.local @!p0 [hbm:s6], $0xF7A  }
0x23: {  	s9 =	sor.u32 $0xD0000000, s2;
	s6 =	simm.s32 $0x108;
	_ =	swait.ge @!p0 [sflag:s8], $0x0  }
0x24: {  	s3 =	sadd.s32 $0x88, s3;
	s6 =	simm.s32 @!p1 $0x1082;
	[sflag:s4] =	ssyncset.s32 $0xFFFFF086  }
0x25: {  	[simem:s6], [sflag:s4] =	dma.local [hbm:s3], $0xF7A  }
0x26: {  	[smem:$0x3F96] =	sst s1;
	(tag) =	ssettag s2;
	_ =	strace s9  }
0x27: {  	s1 =	sld [smem:$0x3FA6]  }
0x28: {  	s2 =	sld [smem:$0x3FA7]  }
0x29: {  	s4 =	sld [smem:$0x3FA9]  }
0x2a: {  	p0 =	seq.s32 s5, $0x0;
	s5 =	sld [smem:$0x3FAA]  }
0x2b: {  	s6 =	sld [smem:$0x3FAB]  }
0x2c: {  	s7 =	sld [smem:$0x3FAC]  }
0x2d: {  	s3 =	simm.s32 $0x108;
	s8 =	sld [smem:$0x3FAD]  }
0x2e: {  	s3 =	simm.s32 @!p0 $0x1082;
	s9 =	sld [smem:$0x3FAE]  }
0x2f: {  	lr =	sadd.s32 s0, s3;
	s0 =	sld [smem:$0x3FA5]  }
0x30: {  	s3 =	sld [smem:$0x3FA8]  }
0x31: {  	[smem:$0x3FB1] =	sst s10  }
0x32: {  	s10 =	sld [smem:$0x3FAF];
	_ =	sdelay $0x3  }
0x33: {  	p0 =	seq.s32 s10, $0x1;
	s10 =	sld [smem:$0x3FB1];
	_ =	sdelay $0x3  }
0x34: {  	[smem:$0x3FB1] =	sst s10  }
0x35: {  	s10 =	sld [smem:$0x3FB0];
	_ =	sdelay $0x3  }
0x36: {  	p1 =	seq.s32 s10, $0x1;
	s10 =	sld [smem:$0x3FB1];
	_ =	sdelay $0x3  }
0x37: {  	[smem:$0x3FB1] =	sst s10  }
0x38: {  	s10 =	sld [smem:$0x3FB2]  }
0x39: {  	_ = 	snop;
	(pc) =	sbr.ind lr, $3  }
0x3a: {  	_ = 	snop  }
0x3b: {  	_ = 	snop  }
0x3c: {  	p2 =	seq.s32 s10, $0x1;
	s10 =	sld [smem:$0x3FB1]  }
0x3d: {  	_ =	shalt  }
0x3e: {  	_ =	shalt  }
0x3f: {  	_ =	shalt  }
0x40: {  	_ =	shalt  }
0x41: {  	_ =	shalt  }
0x42: {  	_ =	shalt  }
0x43: {  	_ =	shalt  }
0x44: {  	_ =	shalt  }
0x45: {  	_ =	shalt  }
0x46: {  	_ =	shalt  }
0x47: {  	_ =	shalt  }
0x48: {  	_ =	shalt  }
0x49: {  	_ =	shalt  }
0x4a: {  	_ =	shalt  }
0x4b: {  	_ =	shalt  }
0x4c: {  	_ =	shalt  }
0x4d: {  	_ =	shalt  }
0x4e: {  	_ =	shalt  }
0x4f: {  	_ =	shalt  }
0x50: {  	_ =	shalt  }
0x51: {  	_ =	shalt  }
0x52: {  	_ =	shalt  }
0x53: {  	_ =	shalt  }
0x54: {  	_ =	shalt  }
0x55: {  	_ =	shalt  }
0x56: {  	_ =	shalt  }
0x57: {  	_ =	shalt  }
0x58: {  	_ =	shalt  }
0x59: {  	_ =	shalt  }
0x5a: {  	_ =	shalt  }
0x5b: {  	_ =	shalt  }
0x5c: {  	_ =	shalt  }
0x5d: {  	_ =	shalt  }
0x5e: {  	_ =	shalt  }
0x5f: {  	_ =	shalt  }
0x60: {  	_ =	shalt  }
0x61: {  	_ =	shalt  }
0x62: {  	_ =	shalt  }
0x63: {  	_ =	shalt  }
0x64: {  	_ =	shalt  }
0x65: {  	_ =	shalt  }
0x66: {  	_ =	shalt  }
0x67: {  	_ =	shalt  }
0x68: {  	_ =	shalt  }
0x69: {  	_ =	shalt  }
0x6a: {  	_ =	shalt  }
0x6b: {  	_ =	shalt  }
0x6c: {  	_ =	shalt  }
0x6d: {  	_ =	shalt  }
0x6e: {  	_ =	shalt  }
0x6f: {  	_ =	shalt  }
0x70: {  	_ =	shalt  }
0x71: {  	_ =	shalt  }
0x72: {  	_ =	shalt  }
0x73: {  	_ =	shalt  }
0x74: {  	_ =	shalt  }
0x75: {  	_ =	shalt  }
0x76: {  	_ =	shalt  }
0x77: {  	_ =	shalt  }
0x78: {  	_ =	shalt  }
0x79: {  	_ =	shalt  }
0x7a: {  	_ =	shalt  }
0x7b: {  	_ =	shalt  }
0x7c: {  	_ =	shalt  }
0x7d: {  	_ =	shalt  }
0x7e: {  	_ =	shalt  }
0x7f: {  	_ =	shalt  }
0x80: {  	_ =	shalt  }
0x81: {  	_ =	shalt  }
0x82: {  	_ =	shalt  }
0x83: {  	_ =	shalt  }
0x84: {  	_ =	shalt  }
0x85: {  	_ =	shalt  }
0x86: {  	_ =	shalt  }
0x87: {  	_ =	shalt  }
.Lfunc_end0:
.L_simem_size_0:
called_computation_lowered:
.L_overlay_start_0:
0x88: {  	s2 =	sld [smem:$0x3FD9]  }
0x89: {  	s3 =	sld [smem:$0x3FFE];
	_ =	sdelay $0x1  }
0x8a: {  	s1 =	srdreg.scid  }
0x8b: {  	s0 =	sand.u32 $0x1, s1  }
0x8c: {  	s17 =	sshll.u32 s0, $0xA;
	s2 =	sadd.s32 s3, s2  }
0x8d: {  	s2 =	sadd.s32 s2, s17  }
0x8e: {  	[smem:$0x3FBD] =	sst s2  }
0x8f: {  	_ = 	snop  }
0x90: {  	s2 =	sld [smem:$0x3FD0];
	(tm) =	ssettm $0x1  }
0x91: {  	s18 =	sld [smem:$0x3FFB];
	_ =	sdelay $0x3  }
0x92: {  	_ =	strace s18  }
0x93: {  	s3 =	sld [smem:$0x3FFC];
	_ =	sdelay $0x3  }
0x94: {  	_ =	strace s3  }
0x95: {  	s3 =	sld [smem:$0x3FFD];
	_ =	sdelay $0x3  }
0x96: {  	_ =	strace s3  }
0x97: {  	_ =	strace $0x8FFFFFFF  }
0x98: {  	s19 =	sld [smem:$0x3FDB];
	_ =	sdelay $0x1  }
0x99: {  	s4 =	simm.s32 $_scs_section_size  }
0x9a: {  	s5 =	simm.s32 $_size__tile_overlayer_lowered;
	s6 =	simm.s32 $_tile_overlayer_lowered  }
0x9b: {  	s22 =	simm.s32 $0x1BFF;
	s21 =	sshll.u32 s6, $0x1;
	s3 =	sadd.s32 s4, s19  }
0x9c: {  	s7 =	simm.s32 $0x0;
	s20 =	sshll.u32 s5, $0x1;
	s5 =	sadd.s32 s21, s3  }
0x9d: {  	[timem:s7], [sflag:s22] =	dma.local [hbm:s5], s20  }
0x9e: {  	_ =	swait.ge [sflag:s22], s20  }
0x9f: {  	s4 =	ssub.s32 $0x0, s20;
	[sflag:s22] =	ssyncset.done $0x0  }
0xa0: {  	[sflag:s22] =	ssyncadd.s32 s4;
	_ =	sdelay $0x1  }
0xa1: {  	s23 =	simm.s32 $0x1B8B  }
0xa2: {  	_ =	swait.ge [sflag:s23], $0x1  }
0xa3: {  	[sflag:s23] =	ssyncset.done $0x0  }
0xa4: {  	s25 =	simm.s32 $0x1B8E;
	s24 =	sld [smem:$0x3FFE];
	[sflag:s23] =	ssyncadd.s32 $0xFFFFFFFF  }
0xa5: {  	s26 =	simm.s32 $execute0_lowered;
	[smem:$0x3FD2] =	sst s25  }
0xa6: {  	s5 =	sshll.u32 s26, $0x1;
	_ =	strace $0x80000046;
	[dreg:$0x1] =	wrdreg $0xFFFFFFFF  }
0xa7: {  	s28 =	simm.s32 $_size_execute0_lowered;
	s3 =	sadd.s32 s3, s5;
	[dreg:$0x0] =	wrdreg $0x0  }
0xa8: {  	s5 =	sshll.u32 s28, $0x1;
	[dreg:$0x2] =	wrdreg s3  }
0xa9: {  	[dreg:$0x3] =	wrdreg s5  }
0xaa: {  	[dreg:$0x4] =	wrdreg $0xC0  }
0xab: {  	_ =	task [dreg:s7], $0x5FFFF  }
0xac: {  	[dreg:$0x1] =	wrdreg $0xFFFFFFFF  }
0xad: {  	[dreg:$0x0] =	wrdreg $0x60  }
0xae: {  	[dreg:$0x2] =	wrdreg s24  }
0xaf: {  	[dreg:$0x3] =	wrdreg s2  }
0xb0: {  	[dreg:$0x4] =	wrdreg $0x9  }
0xb1: {  	_ =	task.clear_ibuf [dreg:s7], $0x5FFFF;
	_ =	strace $0x90000046  }
0xb2: {  	s29 =	simm.s32 $0x9;
	_ =	strace $0x80000048  }
0xb3: {  	_ =	swait.ge [sflag:s29], $0x1  }
0xb4: {  	[sflag:s29] =	ssyncadd.s32 $0xFFFFFFFF  }
0xb5: {  	_ =	strace $0x90000048  }
0xb6: {  	_ =	sfence  }
0xb7: {  	s30 =	sld [smem:$0x0];
	_ =	sdelay $0x2  }
0xb8: {  	s31 =	sshll.u32 s1, $0xD;
	s1 =	sshrl.u32 s1, $0x2  }
0xb9: {  	s3 =	sand.u32 $0x4000, s31;
	s1 =	sadd.s32 s1, s30  }
0xba: {  	s0 =	sor.u32 s3, s0;
	s1 =	sshll.u32 s1, $0x11  }
0xbb: {  	s0 =	sor.u32 s1, s0  }
0xbc: {  	s0 =	sadd.s32 $0x8F2B, s0  }
0xbd: {  	[sflag:s0] =	ssyncadd.remote.s32 $0x1  }
0xbe: {  	_ =	sfence.sel $0xFFFF  }
0xbf: {  	[dreg:$0x0] =	wrdreg $0xFFFFFFFF;
	(pc) =	sbr.abs _section_cstart, $3  }
0xc0: {  	[dreg:$0x1] =	wrdreg $0xFFFFFFFF  }
0xc1: {  	_ =	task.clear_ibuf [dreg:s7], $0x2FFFF;
	_ =	strace $0x9FFFFFFF  }
0xc2: {  	(tm) =	ssettm $0x7FFFFFFF  }
0xc3: {  	_ =	shalt  }
tec
execute0_lowered:
.L_overlay_start_1:
0x0: {  	(tag) =	ssettag $0x1  }
0x1: {  	s1 =	srdreg.scid  }
0x2: {  	s11 =	rddreg [dreg:$0x0];
	s0 =	stileid.u32;
	s25 =	sand.u32 $0x1, s1  }
0x3: {  	s23 =	rddreg [dreg:$0x1];
	s3 =	sshll.u32 s0, $0xC;
	s4 =	sshll.u32 s25, $0xB  }
0x4: {  	s2 =	simm.s32 $0x0;
	s1 =	rddreg [dreg:$0x2];
	s24 =	sor.u32 s4, s3  }
0x5: {  	[smem:$0x7FF] =	sst s2;
	s3 =	sshrl.u32 s24, $0x3  }
0x6: {  	_ =	strace $0x80000047;
	s4 =	sadd.s32 s23, s3;
	s3 =	simm.s32 $0x3  }
0x7: {  	[tilespmem:s2], [sflag:$0x3] =	stream.linear.gather [hbm4b:s4+s2], $0x100, $0x38;
	[tilespmem:$0x10200] =	vst v63  }
0x8: {  	s6 =	simm.s32 $0x100;
	_ =	swait.ge [sflag:s3], $0x100  }
0x9: {  	s7 =	simm.s32 $0x200;
	s14 =	sor.u32 $0x100, s24;
	[sflag:s3] =	ssyncset.done $0x0  }
0xa: {  	s5 =	sadd.s32 $0x1A00, s11;
	s8 =	sshrl.u32 s14, $0x3;
	[sflag:s3] =	ssyncadd.s32 $0xFFFFFF00  }
0xb: {  	[tilespmem:s7], [sflag:$0x1] =	stream.indirect.gather [hbm4b:s5+s6], $0x80, s2, s6, $0xb8;
	[tilespmem:$0x10200] =	vst v63  }
0xc: {  	s8 =	sadd.s32 s23, s8  }
0xd: {  	[tilespmem:s6], [sflag:$0x3] =	stream.linear.gather [hbm4b:s8+s2], $0x100, $0x38;
	[tilespmem:$0x10200] =	vst v63  }
0xe: {  	_ =	swait.ge [sflag:s3], $0x100  }
0xf: {  	[sflag:s3] =	ssyncset.done $0x0  }
0x10: {  	s9 =	simm.s32 $0x8200;
	s10 =	simm.s32 $0x1;
	[sflag:s3] =	ssyncadd.s32 $0xFFFFFF00  }
0x11: {  	[tilespmem:s9], [sflag:$0x2] =	stream.indirect.gather [hbm4b:s5+s6], $0x80, s6, s6, $0xb8;
	[tilespmem:$0x10200] =	vst v63  }
0x12: {  	_ =	swait.ge [sflag:s10], $0x8000  }
0x13: {  	s26 =	sadd.s32 $0x21A00, s11;
	s29 =	sshll.u32 s24, $0x4;
	[sflag:s10] =	ssyncset.done $0x0  }
0x14: {  	s11 =	sadd.s32 s26, s29;
	[sflag:s10] =	ssyncadd.s32 $0xFFFF8000  }
0x15: {  	[hbm4b:s11+s2] =	stream.linear.scatter [tilespmem:s7], [sflag:$0x3], $0x8000, $0x38;
	[tilespmem:$0x10200] =	vst v63  }
0x16: {  	s16 =	sor.u32 $0x200, s24;
	_ =	swait.ge [sflag:s3], $0x8000  }
0x17: {  	s12 =	sshrl.u32 s16, $0x3;
	[sflag:s3] =	ssyncset.done $0x0  }
0x18: {  	s12 =	sadd.s32 s23, s12;
	[sflag:s3] =	ssyncadd.s32 $0xFFFF8000  }
0x19: {  	[tilespmem:s2], [sflag:$0x3] =	stream.linear.gather [hbm4b:s12+s2], $0x100, $0x38;
	[tilespmem:$0x10200] =	vst v63  }
0x1a: {  	_ =	swait.ge [sflag:s3], $0x100  }
0x1b: {  	[sflag:s3] =	ssyncset.done $0x0  }
0x1c: {  	s13 =	simm.s32 $0x2;
	[sflag:s3] =	ssyncadd.s32 $0xFFFFFF00  }
0x1d: {  	[tilespmem:s7], [sflag:$0x1] =	stream.indirect.gather [hbm4b:s5+s6], $0x80, s2, s6, $0xb8;
	[tilespmem:$0x10200] =	vst v63  }
0x1e: {  	_ =	swait.ge [sflag:s13], $0x8000  }
0x1f: {  	s14 =	sshll.u32 s14, $0x4;
	[sflag:s13] =	ssyncset.done $0x0  }
0x20: {  	s14 =	sadd.s32 s26, s14;
	[sflag:s13] =	ssyncadd.s32 $0xFFFF8000  }
0x21: {  	[hbm4b:s14+s2] =	stream.linear.scatter [tilespmem:s9], [sflag:$0x3], $0x8000, $0x38;
	[tilespmem:$0x10200] =	vst v63  }
0x22: {  	s18 =	sor.u32 $0x300, s24;
	_ =	swait.ge [sflag:s3], $0x8000  }
0x23: {  	s15 =	sshrl.u32 s18, $0x3;
	[sflag:s3] =	ssyncset.done $0x0  }
0x24: {  	s15 =	sadd.s32 s23, s15;
	[sflag:s3] =	ssyncadd.s32 $0xFFFF8000  }
0x25: {  	[tilespmem:s6], [sflag:$0x3] =	stream.linear.gather [hbm4b:s15+s2], $0x100, $0x38;
	[tilespmem:$0x10200] =	vst v63  }
0x26: {  	_ =	swait.ge [sflag:s3], $0x100  }
0x27: {  	[sflag:s3] =	ssyncset.done $0x0  }
0x28: {  	[sflag:s3] =	ssyncadd.s32 $0xFFFFFF00  }
0x29: {  	[tilespmem:s9], [sflag:$0x2] =	stream.indirect.gather [hbm4b:s5+s6], $0x80, s6, s6, $0xb8;
	[tilespmem:$0x10200] =	vst v63  }
0x2a: {  	_ =	swait.ge [sflag:s10], $0x8000  }
0x2b: {  	s16 =	sshll.u32 s16, $0x4;
	[sflag:s10] =	ssyncset.done $0x0  }
0x2c: {  	s16 =	sadd.s32 s26, s16;
	[sflag:s10] =	ssyncadd.s32 $0xFFFF8000  }
0x2d: {  	[hbm4b:s16+s2] =	stream.linear.scatter [tilespmem:s7], [sflag:$0x3], $0x8000, $0x38;
	[tilespmem:$0x10200] =	vst v63  }
0x2e: {  	s20 =	sor.u32 $0x400, s24;
	_ =	swait.ge [sflag:s3], $0x8000  }
0x2f: {  	s17 =	sshrl.u32 s20, $0x3;
	[sflag:s3] =	ssyncset.done $0x0  }
0x30: {  	s17 =	sadd.s32 s23, s17;
	[sflag:s3] =	ssyncadd.s32 $0xFFFF8000  }
0x31: {  	[tilespmem:s2], [sflag:$0x3] =	stream.linear.gather [hbm4b:s17+s2], $0x100, $0x38;
	[tilespmem:$0x10200] =	vst v63  }
0x32: {  	_ =	swait.ge [sflag:s3], $0x100  }
0x33: {  	[sflag:s3] =	ssyncset.done $0x0  }
0x34: {  	[sflag:s3] =	ssyncadd.s32 $0xFFFFFF00  }
0x35: {  	[tilespmem:s7], [sflag:$0x1] =	stream.indirect.gather [hbm4b:s5+s6], $0x80, s2, s6, $0xb8;
	[tilespmem:$0x10200] =	vst v63  }
0x36: {  	_ =	swait.ge [sflag:s13], $0x8000  }
0x37: {  	s18 =	sshll.u32 s18, $0x4;
	[sflag:s13] =	ssyncset.done $0x0  }
0x38: {  	s18 =	sadd.s32 s26, s18;
	[sflag:s13] =	ssyncadd.s32 $0xFFFF8000  }
0x39: {  	[hbm4b:s18+s2] =	stream.linear.scatter [tilespmem:s9], [sflag:$0x3], $0x8000, $0x38;
	[tilespmem:$0x10200] =	vst v63  }
0x3a: {  	s22 =	sor.u32 $0x500, s24;
	_ =	swait.ge [sflag:s3], $0x8000  }
0x3b: {  	s19 =	sshrl.u32 s22, $0x3;
	[sflag:s3] =	ssyncset.done $0x0  }
0x3c: {  	s19 =	sadd.s32 s23, s19;
	[sflag:s3] =	ssyncadd.s32 $0xFFFF8000  }
0x3d: {  	[tilespmem:s6], [sflag:$0x3] =	stream.linear.gather [hbm4b:s19+s2], $0x100, $0x38;
	[tilespmem:$0x10200] =	vst v63  }
0x3e: {  	_ =	swait.ge [sflag:s3], $0x100  }
0x3f: {  	[sflag:s3] =	ssyncset.done $0x0  }
0x40: {  	[sflag:s3] =	ssyncadd.s32 $0xFFFFFF00  }
0x41: {  	[tilespmem:s9], [sflag:$0x2] =	stream.indirect.gather [hbm4b:s5+s6], $0x80, s6, s6, $0xb8;
	[tilespmem:$0x10200] =	vst v63  }
0x42: {  	_ =	swait.ge [sflag:s10], $0x8000  }
0x43: {  	s20 =	sshll.u32 s20, $0x4;
	[sflag:s10] =	ssyncset.done $0x0  }
0x44: {  	s20 =	sadd.s32 s26, s20;
	[sflag:s10] =	ssyncadd.s32 $0xFFFF8000  }
0x45: {  	[hbm4b:s20+s2] =	stream.linear.scatter [tilespmem:s7], [sflag:$0x3], $0x8000, $0x38;
	[tilespmem:$0x10200] =	vst v63  }
0x46: {  	s28 =	sor.u32 $0x600, s24;
	_ =	swait.ge [sflag:s3], $0x8000  }
0x47: {  	s21 =	sshrl.u32 s28, $0x3;
	[sflag:s3] =	ssyncset.done $0x0  }
0x48: {  	s21 =	sadd.s32 s23, s21;
	[sflag:s3] =	ssyncadd.s32 $0xFFFF8000  }
0x49: {  	[tilespmem:s2], [sflag:$0x3] =	stream.linear.gather [hbm4b:s21+s2], $0x100, $0x38;
	[tilespmem:$0x10200] =	vst v63  }
0x4a: {  	_ =	swait.ge [sflag:s3], $0x100  }
0x4b: {  	[sflag:s3] =	ssyncset.done $0x0  }
0x4c: {  	[sflag:s3] =	ssyncadd.s32 $0xFFFFFF00  }
0x4d: {  	[tilespmem:s7], [sflag:$0x1] =	stream.indirect.gather [hbm4b:s5+s6], $0x80, s2, s6, $0xb8;
	[tilespmem:$0x10200] =	vst v63  }
0x4e: {  	_ =	swait.ge [sflag:s13], $0x8000  }
0x4f: {  	s22 =	sshll.u32 s22, $0x4;
	[sflag:s13] =	ssyncset.done $0x0  }
0x50: {  	s22 =	sadd.s32 s26, s22;
	[sflag:s13] =	ssyncadd.s32 $0xFFFF8000  }
0x51: {  	[hbm4b:s22+s2] =	stream.linear.scatter [tilespmem:s9], [sflag:$0x3], $0x8000, $0x38;
	[tilespmem:$0x10200] =	vst v63  }
0x52: {  	s29 =	sor.u32 $0x700, s24;
	_ =	swait.ge [sflag:s3], $0x8000  }
0x53: {  	s24 =	sshrl.u32 s29, $0x3;
	[sflag:s3] =	ssyncset.done $0x0  }
0x54: {  	s23 =	sadd.s32 s23, s24;
	[sflag:s3] =	ssyncadd.s32 $0xFFFF8000  }
0x55: {  	[tilespmem:s6], [sflag:$0x3] =	stream.linear.gather [hbm4b:s23+s2], $0x100, $0x38;
	[tilespmem:$0x10200] =	vst v63  }
0x56: {  	_ =	swait.ge [sflag:s3], $0x100  }
0x57: {  	[sflag:s3] =	ssyncset.done $0x0  }
0x58: {  	[sflag:s3] =	ssyncadd.s32 $0xFFFFFF00  }
0x59: {  	[tilespmem:s9], [sflag:$0x2] =	stream.indirect.gather [hbm4b:s5+s6], $0x80, s6, s6, $0xb8;
	[tilespmem:$0x10200] =	vst v63  }
0x5a: {  	_ =	swait.ge [sflag:s10], $0x8000  }
0x5b: {  	s30 =	sshll.u32 s28, $0x4;
	[sflag:s10] =	ssyncset.done $0x0  }
0x5c: {  	s25 =	ssub.s32 $0x2, s25;
	s24 =	sadd.s32 s26, s30;
	[sflag:s10] =	ssyncadd.s32 $0xFFFF8000  }
0x5d: {  	[hbm4b:s24+s2] =	stream.linear.scatter [tilespmem:s7], [sflag:$0x3], $0x8000, $0x38;
	[tilespmem:$0x10200] =	vst v63  }
0x5e: {  	s31 =	sshrl.u32 s25, $0x1;
	_ =	swait.ge [sflag:s3], $0x8000  }
0x5f: {  	s28 =	ssub.s32 s25, s31;
	[sflag:s3] =	ssyncset.done $0x0  }
0x60: {  	s31 =	smax.u32 s28, $0x1;
	[sflag:s3] =	ssyncadd.s32 $0xFFFF8000  }
0x61: {  	p0 =	sne.s32 s31, $0x1;
	_ =	swait.ge [sflag:s13], $0x8000  }
.Ltmp0:
0x62: {  	s30 =	sshll.u32 s29, $0x4;
	[sflag:s13] =	ssyncset.done $0x0;
	(pc) =	sbr.rel @!p0 .LBB2_2-.Ltmp0, $4  }
0x63: {  	s25 =	sadd.s32 s26, s30;
	[sflag:s13] =	ssyncadd.s32 $0xFFFF8000  }
0x64: {  	[hbm4b:s25+s2] =	stream.linear.scatter [tilespmem:s9], [sflag:$0x3], $0x8000, $0x38;
	[tilespmem:$0x10200] =	vst v63  }
0x65: {  	_ =	swait.ge [sflag:s3], $0x8000  }
0x66: {  	s26 =	sadd.s32 $0xFFFFFFFF, s31;
	[sflag:s3] =	ssyncset.done $0x0  }
.LBB2_1:
0x67: {  	p0 =	sne.s32 s26, $0x1;
	s26 =	sadd.s32 $0xFFFFFFFF, s26;
	[sflag:s3] =	ssyncadd.s32 $0xFFFF8000  }
0x68: {  	[tilespmem:s2], [sflag:$0x3] =	stream.linear.gather [hbm4b:s4+s2], $0x100, $0x38;
	[tilespmem:$0x10200] =	vst v63  }
0x69: {  	_ =	swait.ge [sflag:s3], $0x100  }
0x6a: {  	[sflag:s3] =	ssyncset.done $0x0  }
0x6b: {  	[sflag:s3] =	ssyncadd.s32 $0xFFFFFF00  }
0x6c: {  	[tilespmem:s7], [sflag:$0x1] =	stream.indirect.gather [hbm4b:s5+s6], $0x80, s2, s6, $0xb8;
	[tilespmem:$0x10200] =	vst v63  }
0x6d: {  	_ = 	snop  }
0x6e: {  	[tilespmem:s6], [sflag:$0x3] =	stream.linear.gather [hbm4b:s8+s2], $0x100, $0x38;
	[tilespmem:$0x10200] =	vst v63  }
0x6f: {  	_ =	swait.ge [sflag:s3], $0x100  }
0x70: {  	[sflag:s3] =	ssyncset.done $0x0  }
0x71: {  	[sflag:s3] =	ssyncadd.s32 $0xFFFFFF00  }
0x72: {  	[tilespmem:s9], [sflag:$0x2] =	stream.indirect.gather [hbm4b:s5+s6], $0x80, s6, s6, $0xb8;
	[tilespmem:$0x10200] =	vst v63  }
0x73: {  	_ =	swait.ge [sflag:s10], $0x8000  }
0x74: {  	[sflag:s10] =	ssyncset.done $0x0  }
0x75: {  	[sflag:s10] =	ssyncadd.s32 $0xFFFF8000  }
0x76: {  	[hbm4b:s11+s2] =	stream.linear.scatter [tilespmem:s7], [sflag:$0x3], $0x8000, $0x38;
	[tilespmem:$0x10200] =	vst v63  }
0x77: {  	_ =	swait.ge [sflag:s3], $0x8000  }
0x78: {  	[sflag:s3] =	ssyncset.done $0x0  }
0x79: {  	[sflag:s3] =	ssyncadd.s32 $0xFFFF8000  }
0x7a: {  	[tilespmem:s2], [sflag:$0x3] =	stream.linear.gather [hbm4b:s12+s2], $0x100, $0x38;
	[tilespmem:$0x10200] =	vst v63  }
0x7b: {  	_ =	swait.ge [sflag:s3], $0x100  }
0x7c: {  	[sflag:s3] =	ssyncset.done $0x0  }
0x7d: {  	[sflag:s3] =	ssyncadd.s32 $0xFFFFFF00  }
0x7e: {  	[tilespmem:s7], [sflag:$0x1] =	stream.indirect.gather [hbm4b:s5+s6], $0x80, s2, s6, $0xb8;
	[tilespmem:$0x10200] =	vst v63  }
0x7f: {  	_ =	swait.ge [sflag:s13], $0x8000  }
0x80: {  	[sflag:s13] =	ssyncset.done $0x0  }
0x81: {  	[sflag:s13] =	ssyncadd.s32 $0xFFFF8000  }
0x82: {  	[hbm4b:s14+s2] =	stream.linear.scatter [tilespmem:s9], [sflag:$0x3], $0x8000, $0x38;
	[tilespmem:$0x10200] =	vst v63  }
0x83: {  	_ =	swait.ge [sflag:s3], $0x8000  }
0x84: {  	[sflag:s3] =	ssyncset.done $0x0  }
0x85: {  	[sflag:s3] =	ssyncadd.s32 $0xFFFF8000  }
0x86: {  	[tilespmem:s6], [sflag:$0x3] =	stream.linear.gather [hbm4b:s15+s2], $0x100, $0x38;
	[tilespmem:$0x10200] =	vst v63  }
0x87: {  	_ =	swait.ge [sflag:s3], $0x100  }
0x88: {  	[sflag:s3] =	ssyncset.done $0x0  }
0x89: {  	[sflag:s3] =	ssyncadd.s32 $0xFFFFFF00  }
0x8a: {  	[tilespmem:s9], [sflag:$0x2] =	stream.indirect.gather [hbm4b:s5+s6], $0x80, s6, s6, $0xb8;
	[tilespmem:$0x10200] =	vst v63  }
0x8b: {  	_ =	swait.ge [sflag:s10], $0x8000  }
0x8c: {  	[sflag:s10] =	ssyncset.done $0x0  }
0x8d: {  	[sflag:s10] =	ssyncadd.s32 $0xFFFF8000  }
0x8e: {  	[hbm4b:s16+s2] =	stream.linear.scatter [tilespmem:s7], [sflag:$0x3], $0x8000, $0x38;
	[tilespmem:$0x10200] =	vst v63  }
0x8f: {  	_ =	swait.ge [sflag:s3], $0x8000  }
0x90: {  	[sflag:s3] =	ssyncset.done $0x0  }
0x91: {  	[sflag:s3] =	ssyncadd.s32 $0xFFFF8000  }
0x92: {  	[tilespmem:s2], [sflag:$0x3] =	stream.linear.gather [hbm4b:s17+s2], $0x100, $0x38;
	[tilespmem:$0x10200] =	vst v63  }
0x93: {  	_ =	swait.ge [sflag:s3], $0x100  }
0x94: {  	[sflag:s3] =	ssyncset.done $0x0  }
0x95: {  	[sflag:s3] =	ssyncadd.s32 $0xFFFFFF00  }
0x96: {  	[tilespmem:s7], [sflag:$0x1] =	stream.indirect.gather [hbm4b:s5+s6], $0x80, s2, s6, $0xb8;
	[tilespmem:$0x10200] =	vst v63  }
0x97: {  	_ =	swait.ge [sflag:s13], $0x8000  }
0x98: {  	[sflag:s13] =	ssyncset.done $0x0  }
0x99: {  	[sflag:s13] =	ssyncadd.s32 $0xFFFF8000  }
0x9a: {  	[hbm4b:s18+s2] =	stream.linear.scatter [tilespmem:s9], [sflag:$0x3], $0x8000, $0x38;
	[tilespmem:$0x10200] =	vst v63  }
0x9b: {  	_ =	swait.ge [sflag:s3], $0x8000  }
0x9c: {  	[sflag:s3] =	ssyncset.done $0x0  }
0x9d: {  	[sflag:s3] =	ssyncadd.s32 $0xFFFF8000  }
0x9e: {  	[tilespmem:s6], [sflag:$0x3] =	stream.linear.gather [hbm4b:s19+s2], $0x100, $0x38;
	[tilespmem:$0x10200] =	vst v63  }
0x9f: {  	_ =	swait.ge [sflag:s3], $0x100  }
0xa0: {  	[sflag:s3] =	ssyncset.done $0x0  }
0xa1: {  	[sflag:s3] =	ssyncadd.s32 $0xFFFFFF00  }
0xa2: {  	[tilespmem:s9], [sflag:$0x2] =	stream.indirect.gather [hbm4b:s5+s6], $0x80, s6, s6, $0xb8;
	[tilespmem:$0x10200] =	vst v63  }
0xa3: {  	_ =	swait.ge [sflag:s10], $0x8000  }
0xa4: {  	[sflag:s10] =	ssyncset.done $0x0  }
0xa5: {  	[sflag:s10] =	ssyncadd.s32 $0xFFFF8000  }
0xa6: {  	[hbm4b:s20+s2] =	stream.linear.scatter [tilespmem:s7], [sflag:$0x3], $0x8000, $0x38;
	[tilespmem:$0x10200] =	vst v63  }
0xa7: {  	_ =	swait.ge [sflag:s3], $0x8000  }
0xa8: {  	[sflag:s3] =	ssyncset.done $0x0  }
0xa9: {  	[sflag:s3] =	ssyncadd.s32 $0xFFFF8000  }
0xaa: {  	[tilespmem:s2], [sflag:$0x3] =	stream.linear.gather [hbm4b:s21+s2], $0x100, $0x38;
	[tilespmem:$0x10200] =	vst v63  }
0xab: {  	_ =	swait.ge [sflag:s3], $0x100  }
0xac: {  	[sflag:s3] =	ssyncset.done $0x0  }
0xad: {  	[sflag:s3] =	ssyncadd.s32 $0xFFFFFF00  }
0xae: {  	[tilespmem:s7], [sflag:$0x1] =	stream.indirect.gather [hbm4b:s5+s6], $0x80, s2, s6, $0xb8;
	[tilespmem:$0x10200] =	vst v63  }
0xaf: {  	_ =	swait.ge [sflag:s13], $0x8000  }
0xb0: {  	[sflag:s13] =	ssyncset.done $0x0  }
0xb1: {  	[sflag:s13] =	ssyncadd.s32 $0xFFFF8000  }
0xb2: {  	[hbm4b:s22+s2] =	stream.linear.scatter [tilespmem:s9], [sflag:$0x3], $0x8000, $0x38;
	[tilespmem:$0x10200] =	vst v63  }
0xb3: {  	_ =	swait.ge [sflag:s3], $0x8000  }
0xb4: {  	[sflag:s3] =	ssyncset.done $0x0  }
0xb5: {  	[sflag:s3] =	ssyncadd.s32 $0xFFFF8000  }
0xb6: {  	[tilespmem:s6], [sflag:$0x3] =	stream.linear.gather [hbm4b:s23+s2], $0x100, $0x38;
	[tilespmem:$0x10200] =	vst v63  }
0xb7: {  	_ =	swait.ge [sflag:s3], $0x100  }
0xb8: {  	[sflag:s3] =	ssyncset.done $0x0  }
0xb9: {  	[sflag:s3] =	ssyncadd.s32 $0xFFFFFF00  }
0xba: {  	[tilespmem:s9], [sflag:$0x2] =	stream.indirect.gather [hbm4b:s5+s6], $0x80, s6, s6, $0xb8;
	[tilespmem:$0x10200] =	vst v63  }
0xbb: {  	_ =	swait.ge [sflag:s10], $0x8000  }
0xbc: {  	[sflag:s10] =	ssyncset.done $0x0  }
0xbd: {  	[sflag:s10] =	ssyncadd.s32 $0xFFFF8000  }
0xbe: {  	[hbm4b:s24+s2] =	stream.linear.scatter [tilespmem:s7], [sflag:$0x3], $0x8000, $0x38;
	[tilespmem:$0x10200] =	vst v63  }
0xbf: {  	_ =	swait.ge [sflag:s3], $0x8000  }
0xc0: {  	[sflag:s3] =	ssyncset.done $0x0  }
0xc1: {  	[sflag:s3] =	ssyncadd.s32 $0xFFFF8000  }
0xc2: {  	_ =	swait.ge [sflag:s13], $0x8000  }
.Ltmp1:
0xc3: {  	[sflag:s13] =	ssyncset.done $0x0;
	(pc) =	sbr.rel @p0 .LBB2_1-.Ltmp1, $4  }
0xc4: {  	[sflag:s13] =	ssyncadd.s32 $0xFFFF8000  }
0xc5: {  	[hbm4b:s25+s2] =	stream.linear.scatter [tilespmem:s9], [sflag:$0x3], $0x8000, $0x38;
	[tilespmem:$0x10200] =	vst v63  }
0xc6: {  	_ =	swait.ge [sflag:s3], $0x8000  }
0xc7: {  	[sflag:s3] =	ssyncset.done $0x0  }
.LBB2_2:
0xc8: {  	[sflag:s3] =	ssyncadd.s32 $0xFFFF8000  }
0xc9: {  	_ =	sfence.sel $0x180000  }
0xca: {  	[bflag:$0x0] =	sbarrier.arrive $0xFFFF  }
0xcb: {  	p0 =	sne.s32 s0, $0x0;
	_ =	strace $0x90000047  }
0xcc: {  	s0 =	sadd.s32 @!p0 $0x100000, s1;
	[bflag:$0x2] =	sbarrier.arrive $0xFFFF  }
0xcd: {  	[sflag:s0] =	ssyncadd.tile.s32 @!p0 $0x1;
	_ =	shalt  }
.Lfunc_end2:
_tile_overlayer_lowered:
.L_overlay_start_2:
0xce: {  	(tag) =	ssettag $0x2  }
0xcf: {  	s0 =	rddreg [dreg:$0x0];
	s2 =	stileid.u32  }
0xd0: {  	s1 =	rddreg [dreg:$0x1];
	p0 =	sne.s32 s2, $0x0  }
0xd1: {  	s3 =	rddreg [dreg:$0x2];
	[bflag:$0x3] =	sbarrier.arrive $0xFFFF;
	s2 =	simm.s32 @!p0 $0x1C03  }
0xd2: {  	[timem:s3], [sflag:s2] =	dma.local @!p0 [hbm:s0], s1  }
0xd3: {  	s0 =	simm.s32 @!p0 $0x3  }
0xd4: {  	_ =	swait.ge @!p0 [sflag:s0], s1  }
0xd5: {  	s1 =	ssub.s32 @!p0 $0x0, s1;
	[sflag:s0] =	ssyncset.done @!p0 $0x0  }
0xd6: {  	[sflag:s0] =	ssyncadd.s32 @!p0 s1  }
0xd7: {  	[bflag:$0x3] =	sbarrier.arrive $0xFFFF  }
0xd8: {  	_ =	shalt  }

</sc_bundles>
